<compile_context>
chip_gen: v7x
topology: tpu7x:2x2x1
jax: 0.10.2.dev20260603
libtpu: 0.0.44.dev20260713+nightly
codegen_flags: <defaults>
</compile_context>

<pallas_src>
import jax
import jax.numpy as jnp
from jax import lax
from jax.experimental import pallas as pl
from jax.experimental.pallas import tpu as pltpu
from jax.experimental.pallas import tpu_sc as plsc

NC = 2
NS = 16
NW = NC * NS
L = 16

N = 10000
N_PAD = 10240
E = 320000
C = 50
CH = E // (NW * C)
RPT = N_PAD // NS
N_ACC = N_PAD
RPA = N_ACC // NS

_SC_PARAMS = pltpu.CompilerParams(use_tc_tiling_on_sc=False)


def _deg_body(dst3, onehot, zerosd, out, iv, vbuf, shared, sem):
    c = lax.axis_index("c")
    s = lax.axis_index("s")
    wid = c * NS + s

    pltpu.sync_copy(zerosd, shared.at[pl.ds(s * RPT, RPT)])
    pltpu.sync_copy(onehot, vbuf)
    pltpu.sync_copy(dst3.at[wid], iv)
    plsc.subcore_barrier()

    def scat(j, _):
        pltpu.sync_copy(vbuf, shared.at[iv.at[j]], add=True)
        return 0
    lax.fori_loop(0, CH, scat, 0)

    plsc.subcore_barrier()
    pltpu.sync_copy(shared.at[pl.ds(s * RPT, RPT)],
                    out.at[c, pl.ds(s * RPT, RPT)])


def _sc_deg(dst3, onehot, zerosd):
    f = pl.kernel(
        _deg_body,
        out_type=jax.ShapeDtypeStruct((NC, N_PAD, L), jnp.float32),
        mesh=plsc.VectorSubcoreMesh(core_axis_name="c", subcore_axis_name="s"),
        scratch_types=[
            pltpu.VMEM((CH, C), jnp.int32),
            pltpu.VMEM((C, L), jnp.float32),
            pltpu.VMEM_SHARED((N_PAD, L), jnp.float32),
            pltpu.SemaphoreType.DMA,
        ],
        compiler_params=_SC_PARAMS,
    )
    return f(dst3, onehot, zerosd)


def _agg_body(src3, dst3, hs, dinvrow, zerosg, zerost, outg, outt,
              ivs, ivd, rb0, rb1, tb0, tb1, sharedg, sharedt,
              sg0, sg1, st0, st1):
    c = lax.axis_index("c")
    s = lax.axis_index("s")
    wid = c * NS + s

    pltpu.sync_copy(zerosg, sharedg.at[pl.ds(s * RPA, RPA)])
    pltpu.sync_copy(zerost, sharedt.at[pl.ds(s * RPA, RPA)])
    pltpu.sync_copy(src3.at[wid], ivs)
    pltpu.sync_copy(dst3.at[wid], ivd)
    plsc.subcore_barrier()

    pltpu.async_copy(hs.at[ivs.at[0]], rb0, sg0)
    pltpu.async_copy(dinvrow.at[ivs.at[0]], tb0, st0)

    def step2(i, _):
        j0 = 2 * i
        pltpu.async_copy(hs.at[ivs.at[j0 + 1]], rb1, sg1)
        pltpu.async_copy(dinvrow.at[ivs.at[j0 + 1]], tb1, st1)
        pltpu.make_async_copy(hs.at[ivs.at[j0]], rb0, sg0).wait()
        pltpu.make_async_copy(dinvrow.at[ivs.at[j0]], tb0, st0).wait()
        pltpu.sync_copy(rb0, sharedg.at[ivd.at[j0]], add=True)
        pltpu.sync_copy(tb0, sharedt.at[ivd.at[j0]], add=True)

        @pl.when(j0 + 2 < CH)
        def _():
            pltpu.async_copy(hs.at[ivs.at[j0 + 2]], rb0, sg0)
            pltpu.async_copy(dinvrow.at[ivs.at[j0 + 2]], tb0, st0)

        pltpu.make_async_copy(hs.at[ivs.at[j0 + 1]], rb1, sg1).wait()
        pltpu.make_async_copy(dinvrow.at[ivs.at[j0 + 1]], tb1, st1).wait()
        pltpu.sync_copy(rb1, sharedg.at[ivd.at[j0 + 1]], add=True)
        pltpu.sync_copy(tb1, sharedt.at[ivd.at[j0 + 1]], add=True)
        return 0
    lax.fori_loop(0, CH // 2, step2, 0)

    plsc.subcore_barrier()
    pltpu.sync_copy(sharedg.at[pl.ds(s * RPA, RPA)],
                    outg.at[c, pl.ds(s * RPA, RPA)])
    pltpu.sync_copy(sharedt.at[pl.ds(s * RPA, RPA)],
                    outt.at[c, pl.ds(s * RPA, RPA)])


def _sc_agg(src3, dst3, hs, dinvrow, zerosg, zerost):
    f = pl.kernel(
        _agg_body,
        out_type=(jax.ShapeDtypeStruct((NC, N_ACC, 128), jnp.float32),
                  jax.ShapeDtypeStruct((NC, N_ACC, L), jnp.float32)),
        mesh=plsc.VectorSubcoreMesh(core_axis_name="c", subcore_axis_name="s"),
        scratch_types=[
            pltpu.VMEM((CH, C), jnp.int32),
            pltpu.VMEM((CH, C), jnp.int32),
            pltpu.VMEM((C, 128), jnp.float32),
            pltpu.VMEM((C, 128), jnp.float32),
            pltpu.VMEM((C, L), jnp.float32),
            pltpu.VMEM((C, L), jnp.float32),
            pltpu.VMEM_SHARED((N_ACC, 128), jnp.float32),
            pltpu.VMEM_SHARED((N_ACC, L), jnp.float32),
            pltpu.SemaphoreType.DMA,
            pltpu.SemaphoreType.DMA,
            pltpu.SemaphoreType.DMA,
            pltpu.SemaphoreType.DMA,
        ],
        compiler_params=_SC_PARAMS,
    )
    return f(src3, dst3, hs, dinvrow, zerosg, zerost)


def _h_body(x_ref, w_ref, o_ref):
    y = jnp.dot(x_ref[...], w_ref[...], preferred_element_type=jnp.float32)
    nrm = jnp.sqrt(jnp.sum(y * y, axis=-1, keepdims=True))
    o_ref[...] = y / jnp.maximum(nrm, 1e-12)


def _hs_body(deg_ref, h_ref, o_ref):
    degc = deg_ref[0] + deg_ref[1]
    deg0 = degc[:, 0:1]
    dinv = jnp.where(deg0 > 0, lax.rsqrt(jnp.maximum(deg0, 1e-12)), 0.0)
    o_ref[...] = h_ref[...] * dinv


def _dinvrow_body(deg_ref, o_ref):
    degc = deg_ref[0] + deg_ref[1]
    deg0 = degc[:, 0:1]
    dinv = jnp.where(deg0 > 0, lax.rsqrt(jnp.maximum(deg0, 1e-12)), 0.0)
    o_ref[...] = jnp.broadcast_to(dinv, degc.shape)


def _tail_body(g_ref, t_ref, x_ref, we, wc1, bc1, wc2, bc2, wf, bf, wfc, bfc,
               wm1, bm1, wm2, bm2, mb, wres, rsc, wout, o_ref):
    G = g_ref[0] + g_ref[1]
    t = t_ref[0][:, 0:1] + t_ref[1][:, 0:1]
    tsafe = jnp.where(t > 0, t, 1.0)
    agg = jnp.where(t > 0, G / tsafe, 0.0)

    def dot(a, b):
        return jnp.dot(a, b, preferred_element_type=jnp.float32)

    m = dot(agg, we[...])
    z = jnp.maximum(dot(m, wc1[...]) + bc1[...], 0.0)
    z = dot(z, wc2[...]) + bc2[...]
    f = dot(z, wf[...]) + bf[...]
    g2 = dot(jnp.maximum(f, 0.0), wfc[...]) + bfc[...]
    u = jnp.maximum(dot(g2, wm1[...]) + bm1[...], 0.0)
    u = dot(u, wm2[...]) + bm2[...] + mb[...]
    u = u + dot(x_ref[...], wres[...])
    rms = jnp.sqrt(jnp.mean(u * u, axis=-1, keepdims=True) + 1e-6)
    u = (u / rms) * rsc[...]
    o_ref[...] = dot(u, wout[...])


BLK = 1000
GRID = N // BLK


def kernel(x, edge_index, W_node, W_edge, W_c1, b_c1, W_c2, b_c2,
           W_fuse, b_fuse, W_fc, b_fc, W_m1, b_m1, W_m2, b_m2,
           motif_bias, W_res, rms_scale, W_out):
    src3 = edge_index[0].reshape(NW, CH, C)
    dst3 = edge_index[1].reshape(NW, CH, C)

    onehot = jnp.tile(
        jnp.where(jnp.arange(L) == 0, 1.0, 0.0).astype(jnp.float32), (C, 1))
    zerosd = jnp.zeros((RPT, L), jnp.float32)
    zerosg = jnp.zeros((RPA, 128), jnp.float32)
    zerost = jnp.zeros((RPA, L), jnp.float32)
    deg2 = _sc_deg(dst3, onehot, zerosd)

    h = pl.pallas_call(
        _h_body,
        grid=(GRID,),
        in_specs=[pl.BlockSpec((BLK, 128), lambda i: (i, 0)),
                  pl.BlockSpec((128, 128), lambda i: (0, 0))],
        out_specs=pl.BlockSpec((BLK, 128), lambda i: (i, 0)),
        out_shape=jax.ShapeDtypeStruct((N, 128), jnp.float32),
    )(x, W_node)

    hs = pl.pallas_call(
        _hs_body,
        grid=(GRID,),
        in_specs=[pl.BlockSpec((NC, BLK, L), lambda i: (0, i, 0)),
                  pl.BlockSpec((BLK, 128), lambda i: (i, 0))],
        out_specs=pl.BlockSpec((BLK, 128), lambda i: (i, 0)),
        out_shape=jax.ShapeDtypeStruct((N, 128), jnp.float32),
    )(deg2, h)

    dinvrow = pl.pallas_call(
        _dinvrow_body,
        grid=(N_PAD // 1024,),
        in_specs=[pl.BlockSpec((NC, 1024, L), lambda i: (0, i, 0))],
        out_specs=pl.BlockSpec((1024, L), lambda i: (i, 0)),
        out_shape=jax.ShapeDtypeStruct((N_PAD, L), jnp.float32),
    )(deg2)

    G2, T2 = _sc_agg(src3, dst3, hs, dinvrow, zerosg, zerost)

    w2 = lambda a: a.reshape(1, -1)
    full = lambda shape: pl.BlockSpec(shape, lambda i: tuple(0 for _ in shape))

    logits = pl.pallas_call(
        _tail_body,
        grid=(GRID,),
        in_specs=[pl.BlockSpec((NC, BLK, 128), lambda i: (0, i, 0)),
                  pl.BlockSpec((NC, BLK, L), lambda i: (0, i, 0)),
                  pl.BlockSpec((BLK, 128), lambda i: (i, 0)),
                  full((128, 128)), full((128, 128)), full((1, 128)),
                  full((128, 128)), full((1, 128)),
                  full((128, 128)), full((1, 128)),
                  full((128, 128)), full((1, 128)),
                  full((128, 128)), full((1, 128)),
                  full((128, 128)), full((1, 128)), full((1, 128)),
                  full((128, 128)), full((1, 128)),
                  full((128, 16))],
        out_specs=pl.BlockSpec((BLK, 16), lambda i: (i, 0)),
        out_shape=jax.ShapeDtypeStruct((N, 16), jnp.float32),
    )(G2, T2, x, W_edge, W_c1, w2(b_c1), W_c2, w2(b_c2), W_fuse, w2(b_fuse),
      W_fc, w2(b_fc), W_m1, w2(b_m1), W_m2, w2(b_m2), w2(motif_bias),
      W_res, w2(rms_scale), W_out)

    return logits

# --- scband reference (transcript-rebuilt; emitter-appended) ---
"""Pipeline reference for scband-hetero-gnn-27702539059750 (READ-ONLY COPY).

The authoritative reference and input builder live on the scoring server;
editing this copy changes nothing except your own understanding.
"""

import jax, jax.numpy as jnp
import numpy as np

N = 10000
E = 320000
D = 128
CD = 128
MD = 128
T = 16


def setup_inputs(seed: int = 0):
    key = jax.random.key(seed)
    ks = jax.random.split(key, 16)

    def w(k, shape, fan_in):
        return jax.random.normal(k, shape, jnp.float32) * (1.0 / np.sqrt(fan_in))

    inp = {}
    inp['x'] = jax.random.normal(ks[0], (N, D), jnp.float32)
    inp['edge_index'] = jax.random.randint(ks[1], (2, E), 0, N, dtype=jnp.int32)
    inp['W_node'] = w(ks[2], (D, CD), D)
    inp['W_edge'] = w(ks[3], (CD, CD), CD)
    inp['W_c1'] = w(ks[4], (CD, CD), CD)
    inp['b_c1'] = jnp.zeros((CD,), jnp.float32)
    inp['W_c2'] = w(ks[5], (CD, CD), CD)
    inp['b_c2'] = jnp.zeros((CD,), jnp.float32)
    inp['W_fuse'] = w(ks[6], (CD, CD), CD)
    inp['b_fuse'] = jnp.zeros((CD,), jnp.float32)
    inp['W_fc'] = w(ks[7], (CD, MD), CD)
    inp['b_fc'] = jnp.zeros((MD,), jnp.float32)
    inp['W_m1'] = w(ks[8], (MD, MD), MD)
    inp['b_m1'] = jnp.zeros((MD,), jnp.float32)
    inp['W_m2'] = w(ks[9], (MD, MD), MD)
    inp['b_m2'] = jnp.zeros((MD,), jnp.float32)
    inp['motif_bias'] = jnp.zeros((MD,), jnp.float32)
    inp['W_res'] = w(ks[10], (D, MD), D)
    inp['rms_scale'] = jnp.ones((MD,), jnp.float32)
    inp['W_out'] = w(ks[11], (MD, T), MD)
    return inp


def reference(x, edge_index, W_node, W_edge, W_c1, b_c1, W_c2, b_c2,
              W_fuse, b_fuse, W_fc, b_fc, W_m1, b_m1, W_m2, b_m2,
              motif_bias, W_res, rms_scale, W_out):
    src = edge_index[0]
    dst = edge_index[1]
    n = x.shape[0]

    # ConvScore: gcn_norm edge weights (symmetric normalization, no self loops)
    deg = jax.ops.segment_sum(jnp.ones_like(src, dtype=jnp.float32), dst, num_segments=n)
    dinv = jnp.where(deg > 0, 1.0 / jnp.sqrt(jnp.maximum(deg, 1e-12)), 0.0)
    ew = dinv[src] * dinv[dst]
    # column-normalize: score_sum = sum over dim 0 (per dst column); zeros -> 1
    s_sum = jax.ops.segment_sum(ew, dst, num_segments=n)
    s_sum = jnp.where(s_sum == 0.0, 1.0, s_sum)
    ew = ew / s_sum[dst]

    # attribute_alignment: project node features, L2-normalize (alignment_norm=True)
    h = x @ W_node
    h = h / jnp.maximum(jnp.linalg.norm(h, axis=-1, keepdims=True), 1e-12)

    # sparse message passing: agg = score^T @ h (scatter-add over dst)
    agg = jax.ops.segment_sum(ew[:, None] * h[src], dst, num_segments=n)

    # per-relation edge projection
    m = agg @ W_edge

    # chain_layers: Linear -> relu -> dropout(eval) -> Linear (n_chain_layers=2)
    z = m @ W_c1 + b_c1
    z = jnp.maximum(z, 0.0)
    z = z @ W_c2 + b_c2

    # chain fusion (mean over relations; single relation here) via fusion_encoder
    f = z @ W_fuse + b_fuse

    # fusion_encoder_fc: relu -> dropout(eval) -> Linear to motif dim
    g = jnp.maximum(f, 0.0) @ W_fc + b_fc

    # motif_layers: [Linear, relu, dropout]*(n-1), Linear (n_motif_layers=2)
    u = g @ W_m1 + b_m1
    u = jnp.maximum(u, 0.0)
    u = u @ W_m2 + b_m2
    u = u + motif_bias

    # residual from raw target-node features (gnn_residual_scale=1.0)
    u = u + 1.0 * (x @ W_res)

    # RMSNorm (eps=1e-6)
    rms = jnp.sqrt(jnp.mean(u * u, axis=-1, keepdims=True) + 1e-6)
    u = (u / rms) * rms_scale

    logits = u @ W_out
    return logits

if __name__ == "__main__":
    import jax
    _d = setup_inputs()
    print(jax.jit(kernel)(*tuple(_d.values())))

</pallas_src>

<mosaic_0001>
#map = affine_map<(d0, d1) -> (0, 0, 0)>
#map1 = affine_map<(d0, d1) -> (0, 0)>
module attributes {stable_mosaic.version = 14 : i64} {
  func.func @_agg_body(%arg0: i32, %arg1: i32, %arg2: memref<32x200x50xi32, #tpu.memory_space<hbm>>, %arg3: memref<32x200x50xi32, #tpu.memory_space<hbm>>, %arg4: memref<10000x128xf32, #tpu.memory_space<hbm>>, %arg5: memref<10240x16xf32, #tpu.memory_space<hbm>>, %arg6: memref<640x128xf32, #tpu.memory_space<hbm>>, %arg7: memref<640x16xf32, #tpu.memory_space<hbm>>, %arg8: memref<2x10240x128xf32, #tpu.memory_space<hbm>>, %arg9: memref<2x10240x16xf32, #tpu.memory_space<hbm>>, %arg10: memref<200x50xi32, #tpu.memory_space<vmem>>, %arg11: memref<200x50xi32, #tpu.memory_space<vmem>>, %arg12: memref<50x128xf32, #tpu.memory_space<vmem>>, %arg13: memref<50x128xf32, #tpu.memory_space<vmem>>, %arg14: memref<50x16xf32, #tpu.memory_space<vmem>>, %arg15: memref<50x16xf32, #tpu.memory_space<vmem>>, %arg16: memref<10240x128xf32, #tpu.memory_space<vmem_shared>>, %arg17: memref<10240x16xf32, #tpu.memory_space<vmem_shared>>, %arg18: memref<!tpu.dma_semaphore, #tpu.memory_space<semaphore_mem>>, %arg19: memref<!tpu.dma_semaphore, #tpu.memory_space<semaphore_mem>>, %arg20: memref<!tpu.dma_semaphore, #tpu.memory_space<semaphore_mem>>, %arg21: memref<!tpu.dma_semaphore, #tpu.memory_space<semaphore_mem>>) attributes {dimension_semantics = [#tpu.dimension_semantics<core_parallel>, #tpu.dimension_semantics<subcore_parallel>], iteration_bounds = array<i64: 2, 16>, scalar_prefetch = 0 : i64, scratch_operands = 12 : i64, tpu.core_type = #tpu.core_type<sc_vector_subcore>, window_params = [{transform_indices = #map}, {transform_indices = #map}, {transform_indices = #map1}, {transform_indices = #map1}, {transform_indices = #map1}, {transform_indices = #map1}, {transform_indices = #map}, {transform_indices = #map}]} {
    %mul3A = arith.constant 16 : i32
    %mul3A_0 = arith.muli %arg0, %mul3A : i32
    %add3A = arith.addi %mul3A_0, %arg1 : i32
    %mul3A_1 = arith.constant 640 : i32
    %mul3A_2 = arith.muli %arg1, %mul3A_1 : i32
    "tpu.region"() ({
      %run_scoped3A = tpu.sem_alloc : memref<!tpu.dma_semaphore, #tpu.memory_space<semaphore_mem>>
      %dma_start3A_33 = arith.constant 0 : i32
      %dma_start3A_34 = tpu.memref_slice %arg16[%mul3A_2, %dma_start3A_33] : memref<10240x128xf32, #tpu.memory_space<vmem_shared>> -> memref<640x128xf32, #tpu.memory_space<vmem_shared>>
      tpu.enqueue_dma source(%arg6 : memref<640x128xf32, #tpu.memory_space<hbm>>) target(%dma_start3A_34 : memref<640x128xf32, #tpu.memory_space<vmem_shared>>) target_semaphore(%run_scoped3A : memref<!tpu.dma_semaphore, #tpu.memory_space<semaphore_mem>>)
      %dma_wait3A = arith.constant 0 : i32
      %dma_wait3A_35 = tpu.memref_slice %arg16[%mul3A_2, %dma_wait3A] : memref<10240x128xf32, #tpu.memory_space<vmem_shared>> -> memref<640x128xf32, #tpu.memory_space<vmem_shared>>
      tpu.wait_dma2 semaphore(%run_scoped3A : memref<!tpu.dma_semaphore, #tpu.memory_space<semaphore_mem>>) src(%arg6 : memref<640x128xf32, #tpu.memory_space<hbm>>) dst(%dma_wait3A_35 : memref<640x128xf32, #tpu.memory_space<vmem_shared>>)
      tpu.yield
    }) : () -> ()
    %mul3A_3 = arith.constant 640 : i32
    %mul3A_4 = arith.muli %arg1, %mul3A_3 : i32
    "tpu.region"() ({
      %run_scoped3A = tpu.sem_alloc : memref<!tpu.dma_semaphore, #tpu.memory_space<semaphore_mem>>
      %dma_start3A_33 = arith.constant 0 : i32
      %dma_start3A_34 = tpu.memref_slice %arg17[%mul3A_4, %dma_start3A_33] : memref<10240x16xf32, #tpu.memory_space<vmem_shared>> -> memref<640x16xf32, #tpu.memory_space<vmem_shared>>
      tpu.enqueue_dma source(%arg7 : memref<640x16xf32, #tpu.memory_space<hbm>>) target(%dma_start3A_34 : memref<640x16xf32, #tpu.memory_space<vmem_shared>>) target_semaphore(%run_scoped3A : memref<!tpu.dma_semaphore, #tpu.memory_space<semaphore_mem>>)
      %dma_wait3A = arith.constant 0 : i32
      %dma_wait3A_35 = tpu.memref_slice %arg17[%mul3A_4, %dma_wait3A] : memref<10240x16xf32, #tpu.memory_space<vmem_shared>> -> memref<640x16xf32, #tpu.memory_space<vmem_shared>>
      tpu.wait_dma2 semaphore(%run_scoped3A : memref<!tpu.dma_semaphore, #tpu.memory_space<semaphore_mem>>) src(%arg7 : memref<640x16xf32, #tpu.memory_space<hbm>>) dst(%dma_wait3A_35 : memref<640x16xf32, #tpu.memory_space<vmem_shared>>)
      tpu.yield
    }) : () -> ()
    "tpu.region"() ({
      %run_scoped3A = tpu.sem_alloc : memref<!tpu.dma_semaphore, #tpu.memory_space<semaphore_mem>>
      %dma_start3A_33 = arith.constant 0 : i32
      %dma_start3A_34 = arith.constant 0 : i32
      %dma_start3A_35 = tpu.memref_slice %arg2[%add3A, %dma_start3A_33, %dma_start3A_34] : memref<32x200x50xi32, #tpu.memory_space<hbm>> -> memref<1x200x50xi32, #tpu.memory_space<hbm>>
      %dma_start3A_36 = tpu.memref_squeeze %dma_start3A_35 : memref<1x200x50xi32, #tpu.memory_space<hbm>> -> memref<200x50xi32, #tpu.memory_space<hbm>>
      %dma_start3A_37 = arith.constant 0 : i32
      %dma_start3A_38 = arith.constant 0 : i32
      %dma_start3A_39 = tpu.memref_slice %arg2[%add3A, %dma_start3A_37, %dma_start3A_38] : memref<32x200x50xi32, #tpu.memory_space<hbm>> -> memref<1x200x50xi32, #tpu.memory_space<hbm>>
      %dma_start3A_40 = tpu.memref_squeeze %dma_start3A_39 : memref<1x200x50xi32, #tpu.memory_space<hbm>> -> memref<200x50xi32, #tpu.memory_space<hbm>>
      tpu.enqueue_dma source(%dma_start3A_40 : memref<200x50xi32, #tpu.memory_space<hbm>>) target(%arg10 : memref<200x50xi32, #tpu.memory_space<vmem>>) target_semaphore(%run_scoped3A : memref<!tpu.dma_semaphore, #tpu.memory_space<semaphore_mem>>)
      %dma_wait3A = arith.constant 0 : i32
      %dma_wait3A_41 = arith.constant 0 : i32
      %dma_wait3A_42 = tpu.memref_slice %arg2[%add3A, %dma_wait3A, %dma_wait3A_41] : memref<32x200x50xi32, #tpu.memory_space<hbm>> -> memref<1x200x50xi32, #tpu.memory_space<hbm>>
      %dma_wait3A_43 = tpu.memref_squeeze %dma_wait3A_42 : memref<1x200x50xi32, #tpu.memory_space<hbm>> -> memref<200x50xi32, #tpu.memory_space<hbm>>
      %dma_wait3A_44 = arith.constant 0 : i32
      %dma_wait3A_45 = arith.constant 0 : i32
      %dma_wait3A_46 = tpu.memref_slice %arg2[%add3A, %dma_wait3A_44, %dma_wait3A_45] : memref<32x200x50xi32, #tpu.memory_space<hbm>> -> memref<1x200x50xi32, #tpu.memory_space<hbm>>
      %dma_wait3A_47 = tpu.memref_squeeze %dma_wait3A_46 : memref<1x200x50xi32, #tpu.memory_space<hbm>> -> memref<200x50xi32, #tpu.memory_space<hbm>>
      tpu.wait_dma2 semaphore(%run_scoped3A : memref<!tpu.dma_semaphore, #tpu.memory_space<semaphore_mem>>) src(%dma_wait3A_47 : memref<200x50xi32, #tpu.memory_space<hbm>>) dst(%arg10 : memref<200x50xi32, #tpu.memory_space<vmem>>)
      tpu.yield
    }) : () -> ()
    "tpu.region"() ({
      %run_scoped3A = tpu.sem_alloc : memref<!tpu.dma_semaphore, #tpu.memory_space<semaphore_mem>>
      %dma_start3A_33 = arith.constant 0 : i32
      %dma_start3A_34 = arith.constant 0 : i32
      %dma_start3A_35 = tpu.memref_slice %arg3[%add3A, %dma_start3A_33, %dma_start3A_34] : memref<32x200x50xi32, #tpu.memory_space<hbm>> -> memref<1x200x50xi32, #tpu.memory_space<hbm>>
      %dma_start3A_36 = tpu.memref_squeeze %dma_start3A_35 : memref<1x200x50xi32, #tpu.memory_space<hbm>> -> memref<200x50xi32, #tpu.memory_space<hbm>>
      %dma_start3A_37 = arith.constant 0 : i32
      %dma_start3A_38 = arith.constant 0 : i32
      %dma_start3A_39 = tpu.memref_slice %arg3[%add3A, %dma_start3A_37, %dma_start3A_38] : memref<32x200x50xi32, #tpu.memory_space<hbm>> -> memref<1x200x50xi32, #tpu.memory_space<hbm>>
      %dma_start3A_40 = tpu.memref_squeeze %dma_start3A_39 : memref<1x200x50xi32, #tpu.memory_space<hbm>> -> memref<200x50xi32, #tpu.memory_space<hbm>>
      tpu.enqueue_dma source(%dma_start3A_40 : memref<200x50xi32, #tpu.memory_space<hbm>>) target(%arg11 : memref<200x50xi32, #tpu.memory_space<vmem>>) target_semaphore(%run_scoped3A : memref<!tpu.dma_semaphore, #tpu.memory_space<semaphore_mem>>)
      %dma_wait3A = arith.constant 0 : i32
      %dma_wait3A_41 = arith.constant 0 : i32
      %dma_wait3A_42 = tpu.memref_slice %arg3[%add3A, %dma_wait3A, %dma_wait3A_41] : memref<32x200x50xi32, #tpu.memory_space<hbm>> -> memref<1x200x50xi32, #tpu.memory_space<hbm>>
      %dma_wait3A_43 = tpu.memref_squeeze %dma_wait3A_42 : memref<1x200x50xi32, #tpu.memory_space<hbm>> -> memref<200x50xi32, #tpu.memory_space<hbm>>
      %dma_wait3A_44 = arith.constant 0 : i32
      %dma_wait3A_45 = arith.constant 0 : i32
      %dma_wait3A_46 = tpu.memref_slice %arg3[%add3A, %dma_wait3A_44, %dma_wait3A_45] : memref<32x200x50xi32, #tpu.memory_space<hbm>> -> memref<1x200x50xi32, #tpu.memory_space<hbm>>
      %dma_wait3A_47 = tpu.memref_squeeze %dma_wait3A_46 : memref<1x200x50xi32, #tpu.memory_space<hbm>> -> memref<200x50xi32, #tpu.memory_space<hbm>>
      tpu.wait_dma2 semaphore(%run_scoped3A : memref<!tpu.dma_semaphore, #tpu.memory_space<semaphore_mem>>) src(%dma_wait3A_47 : memref<200x50xi32, #tpu.memory_space<hbm>>) dst(%arg11 : memref<200x50xi32, #tpu.memory_space<vmem>>)
      tpu.yield
    }) : () -> ()
    %barrier3A = arith.constant 0 : index
    tpu.barrier barrier_id(%barrier3A)
    %dma_start3A = arith.constant 0 : i32
    %dma_start3A_5 = arith.constant 0 : i32
    %dma_start3A_6 = tpu.memref_slice %arg10[%dma_start3A, %dma_start3A_5] : memref<200x50xi32, #tpu.memory_space<vmem>> -> memref<1x50xi32, #tpu.memory_space<vmem>>
    %dma_start3A_7 = tpu.memref_squeeze %dma_start3A_6 : memref<1x50xi32, #tpu.memory_space<vmem>> -> memref<50xi32, #tpu.memory_space<vmem>>
    %dma_start3A_8 = arith.constant 0 : i32
    %dma_start3A_9 = arith.constant 0 : i32
    %dma_start3A_10 = tpu.memref_slice %arg4[%dma_start3A_8, %dma_start3A_9] : memref<10000x128xf32, #tpu.memory_space<hbm>> -> memref<10000x128xf32, #tpu.memory_space<hbm>>
    tpu.enqueue_indirect_dma source(%dma_start3A_10 : memref<10000x128xf32, #tpu.memory_space<hbm>>) target(%arg12 : memref<50x128xf32, #tpu.memory_space<vmem>>) offsets(%dma_start3A_7 : memref<50xi32, #tpu.memory_space<vmem>>) semaphore(%arg18 : memref<!tpu.dma_semaphore, #tpu.memory_space<semaphore_mem>>)
    %dma_start3A_11 = arith.constant 0 : i32
    %dma_start3A_12 = arith.constant 0 : i32
    %dma_start3A_13 = tpu.memref_slice %arg10[%dma_start3A_11, %dma_start3A_12] : memref<200x50xi32, #tpu.memory_space<vmem>> -> memref<1x50xi32, #tpu.memory_space<vmem>>
    %dma_start3A_14 = tpu.memref_squeeze %dma_start3A_13 : memref<1x50xi32, #tpu.memory_space<vmem>> -> memref<50xi32, #tpu.memory_space<vmem>>
    %dma_start3A_15 = arith.constant 0 : i32
    %dma_start3A_16 = arith.constant 0 : i32
    %dma_start3A_17 = tpu.memref_slice %arg5[%dma_start3A_15, %dma_start3A_16] : memref<10240x16xf32, #tpu.memory_space<hbm>> -> memref<10240x16xf32, #tpu.memory_space<hbm>>
    tpu.enqueue_indirect_dma source(%dma_start3A_17 : memref<10240x16xf32, #tpu.memory_space<hbm>>) target(%arg14 : memref<50x16xf32, #tpu.memory_space<vmem>>) offsets(%dma_start3A_14 : memref<50xi32, #tpu.memory_space<vmem>>) semaphore(%arg20 : memref<!tpu.dma_semaphore, #tpu.memory_space<semaphore_mem>>)
    %scan3A = arith.constant 0 : i32
    %scan3A_18 = arith.constant 0 : i32
    %scan3A_19 = arith.constant 100 : i32
    %scan3A_20 = arith.addi %scan3A_18, %scan3A_19 : i32
    %scan3A_21 = arith.constant 1 : i32
    %scan3A_22 = scf.for %scan3A_33 = %scan3A_18 to %scan3A_20 step %scan3A_21 iter_args(%scan3A_34 = %scan3A) -> (i32)  : i32 {
      %mul3A_35 = arith.constant 2 : i32
      %mul3A_36 = arith.muli %mul3A_35, %scan3A_33 : i32
      %add3A_37 = arith.constant 1 : i32
      %add3A_38 = arith.addi %mul3A_36, %add3A_37 : i32
      %dma_start3A_39 = arith.constant 0 : i32
      %dma_start3A_40 = tpu.memref_slice %arg10[%add3A_38, %dma_start3A_39] : memref<200x50xi32, #tpu.memory_space<vmem>> -> memref<1x50xi32, #tpu.memory_space<vmem>>
      %dma_start3A_41 = tpu.memref_squeeze %dma_start3A_40 : memref<1x50xi32, #tpu.memory_space<vmem>> -> memref<50xi32, #tpu.memory_space<vmem>>
      %dma_start3A_42 = arith.constant 0 : i32
      %dma_start3A_43 = arith.constant 0 : i32
      %dma_start3A_44 = tpu.memref_slice %arg4[%dma_start3A_42, %dma_start3A_43] : memref<10000x128xf32, #tpu.memory_space<hbm>> -> memref<10000x128xf32, #tpu.memory_space<hbm>>
      tpu.enqueue_indirect_dma source(%dma_start3A_44 : memref<10000x128xf32, #tpu.memory_space<hbm>>) target(%arg13 : memref<50x128xf32, #tpu.memory_space<vmem>>) offsets(%dma_start3A_41 : memref<50xi32, #tpu.memory_space<vmem>>) semaphore(%arg19 : memref<!tpu.dma_semaphore, #tpu.memory_space<semaphore_mem>>)
      %add3A_45 = arith.constant 1 : i32
      %add3A_46 = arith.addi %mul3A_36, %add3A_45 : i32
      %dma_start3A_47 = arith.constant 0 : i32
      %dma_start3A_48 = tpu.memref_slice %arg10[%add3A_46, %dma_start3A_47] : memref<200x50xi32, #tpu.memory_space<vmem>> -> memref<1x50xi32, #tpu.memory_space<vmem>>
      %dma_start3A_49 = tpu.memref_squeeze %dma_start3A_48 : memref<1x50xi32, #tpu.memory_space<vmem>> -> memref<50xi32, #tpu.memory_space<vmem>>
      %dma_start3A_50 = arith.constant 0 : i32
      %dma_start3A_51 = arith.constant 0 : i32
      %dma_start3A_52 = tpu.memref_slice %arg5[%dma_start3A_50, %dma_start3A_51] : memref<10240x16xf32, #tpu.memory_space<hbm>> -> memref<10240x16xf32, #tpu.memory_space<hbm>>
      tpu.enqueue_indirect_dma source(%dma_start3A_52 : memref<10240x16xf32, #tpu.memory_space<hbm>>) target(%arg15 : memref<50x16xf32, #tpu.memory_space<vmem>>) offsets(%dma_start3A_49 : memref<50xi32, #tpu.memory_space<vmem>>) semaphore(%arg21 : memref<!tpu.dma_semaphore, #tpu.memory_space<semaphore_mem>>)
      %dma_wait3A = arith.constant 0 : i32
      %dma_wait3A_53 = tpu.memref_slice %arg10[%mul3A_36, %dma_wait3A] : memref<200x50xi32, #tpu.memory_space<vmem>> -> memref<1x50xi32, #tpu.memory_space<vmem>>
      %dma_wait3A_54 = tpu.memref_squeeze %dma_wait3A_53 : memref<1x50xi32, #tpu.memory_space<vmem>> -> memref<50xi32, #tpu.memory_space<vmem>>
      %dma_wait3A_55 = arith.constant 0 : i32
      %dma_wait3A_56 = arith.constant 0 : i32
      %dma_wait3A_57 = tpu.memref_slice %arg4[%dma_wait3A_55, %dma_wait3A_56] : memref<10000x128xf32, #tpu.memory_space<hbm>> -> memref<10000x128xf32, #tpu.memory_space<hbm>>
      tpu.wait_indirect_dma semaphore(%arg18 : memref<!tpu.dma_semaphore, #tpu.memory_space<semaphore_mem>>) src(%dma_wait3A_57 : memref<10000x128xf32, #tpu.memory_space<hbm>>) dst(%arg12 : memref<50x128xf32, #tpu.memory_space<vmem>>)
      %dma_wait3A_58 = arith.constant 0 : i32
      %dma_wait3A_59 = tpu.memref_slice %arg10[%mul3A_36, %dma_wait3A_58] : memref<200x50xi32, #tpu.memory_space<vmem>> -> memref<1x50xi32, #tpu.memory_space<vmem>>
      %dma_wait3A_60 = tpu.memref_squeeze %dma_wait3A_59 : memref<1x50xi32, #tpu.memory_space<vmem>> -> memref<50xi32, #tpu.memory_space<vmem>>
      %dma_wait3A_61 = arith.constant 0 : i32
      %dma_wait3A_62 = arith.constant 0 : i32
      %dma_wait3A_63 = tpu.memref_slice %arg5[%dma_wait3A_61, %dma_wait3A_62] : memref<10240x16xf32, #tpu.memory_space<hbm>> -> memref<10240x16xf32, #tpu.memory_space<hbm>>
      tpu.wait_indirect_dma semaphore(%arg20 : memref<!tpu.dma_semaphore, #tpu.memory_space<semaphore_mem>>) src(%dma_wait3A_63 : memref<10240x16xf32, #tpu.memory_space<hbm>>) dst(%arg14 : memref<50x16xf32, #tpu.memory_space<vmem>>)
      "tpu.region"() ({
        %run_scoped3A = tpu.sem_alloc : memref<!tpu.dma_semaphore, #tpu.memory_space<semaphore_mem>>
        %dma_start3A_89 = arith.constant 0 : i32
        %dma_start3A_90 = tpu.memref_slice %arg11[%mul3A_36, %dma_start3A_89] : memref<200x50xi32, #tpu.memory_space<vmem>> -> memref<1x50xi32, #tpu.memory_space<vmem>>
        %dma_start3A_91 = tpu.memref_squeeze %dma_start3A_90 : memref<1x50xi32, #tpu.memory_space<vmem>> -> memref<50xi32, #tpu.memory_space<vmem>>
        %dma_start3A_92 = arith.constant 0 : i32
        %dma_start3A_93 = arith.constant 0 : i32
        %dma_start3A_94 = tpu.memref_slice %arg16[%dma_start3A_92, %dma_start3A_93] : memref<10240x128xf32, #tpu.memory_space<vmem_shared>> -> memref<10240x128xf32, #tpu.memory_space<vmem_shared>>
        tpu.enqueue_indirect_dma source(%arg12 : memref<50x128xf32, #tpu.memory_space<vmem>>) target(%dma_start3A_94 : memref<10240x128xf32, #tpu.memory_space<vmem_shared>>) offsets(%dma_start3A_91 : memref<50xi32, #tpu.memory_space<vmem>>) semaphore(%run_scoped3A : memref<!tpu.dma_semaphore, #tpu.memory_space<semaphore_mem>>) {add = true}
        %dma_wait3A_95 = arith.constant 0 : i32
        %dma_wait3A_96 = tpu.memref_slice %arg11[%mul3A_36, %dma_wait3A_95] : memref<200x50xi32, #tpu.memory_space<vmem>> -> memref<1x50xi32, #tpu.memory_space<vmem>>
        %dma_wait3A_97 = tpu.memref_squeeze %dma_wait3A_96 : memref<1x50xi32, #tpu.memory_space<vmem>> -> memref<50xi32, #tpu.memory_space<vmem>>
        %dma_wait3A_98 = arith.constant 0 : i32
        %dma_wait3A_99 = arith.constant 0 : i32
        %dma_wait3A_100 = tpu.memref_slice %arg16[%dma_wait3A_98, %dma_wait3A_99] : memref<10240x128xf32, #tpu.memory_space<vmem_shared>> -> memref<10240x128xf32, #tpu.memory_space<vmem_shared>>
        tpu.wait_indirect_dma semaphore(%run_scoped3A : memref<!tpu.dma_semaphore, #tpu.memory_space<semaphore_mem>>) src(%arg12 : memref<50x128xf32, #tpu.memory_space<vmem>>) dst(%dma_wait3A_100 : memref<10240x128xf32, #tpu.memory_space<vmem_shared>>)
        tpu.yield
      }) : () -> ()
      "tpu.region"() ({
        %run_scoped3A = tpu.sem_alloc : memref<!tpu.dma_semaphore, #tpu.memory_space<semaphore_mem>>
        %dma_start3A_89 = arith.constant 0 : i32
        %dma_start3A_90 = tpu.memref_slice %arg11[%mul3A_36, %dma_start3A_89] : memref<200x50xi32, #tpu.memory_space<vmem>> -> memref<1x50xi32, #tpu.memory_space<vmem>>
        %dma_start3A_91 = tpu.memref_squeeze %dma_start3A_90 : memref<1x50xi32, #tpu.memory_space<vmem>> -> memref<50xi32, #tpu.memory_space<vmem>>
        %dma_start3A_92 = arith.constant 0 : i32
        %dma_start3A_93 = arith.constant 0 : i32
        %dma_start3A_94 = tpu.memref_slice %arg17[%dma_start3A_92, %dma_start3A_93] : memref<10240x16xf32, #tpu.memory_space<vmem_shared>> -> memref<10240x16xf32, #tpu.memory_space<vmem_shared>>
        tpu.enqueue_indirect_dma source(%arg14 : memref<50x16xf32, #tpu.memory_space<vmem>>) target(%dma_start3A_94 : memref<10240x16xf32, #tpu.memory_space<vmem_shared>>) offsets(%dma_start3A_91 : memref<50xi32, #tpu.memory_space<vmem>>) semaphore(%run_scoped3A : memref<!tpu.dma_semaphore, #tpu.memory_space<semaphore_mem>>) {add = true}
        %dma_wait3A_95 = arith.constant 0 : i32
        %dma_wait3A_96 = tpu.memref_slice %arg11[%mul3A_36, %dma_wait3A_95] : memref<200x50xi32, #tpu.memory_space<vmem>> -> memref<1x50xi32, #tpu.memory_space<vmem>>
        %dma_wait3A_97 = tpu.memref_squeeze %dma_wait3A_96 : memref<1x50xi32, #tpu.memory_space<vmem>> -> memref<50xi32, #tpu.memory_space<vmem>>
        %dma_wait3A_98 = arith.constant 0 : i32
        %dma_wait3A_99 = arith.constant 0 : i32
        %dma_wait3A_100 = tpu.memref_slice %arg17[%dma_wait3A_98, %dma_wait3A_99] : memref<10240x16xf32, #tpu.memory_space<vmem_shared>> -> memref<10240x16xf32, #tpu.memory_space<vmem_shared>>
        tpu.wait_indirect_dma semaphore(%run_scoped3A : memref<!tpu.dma_semaphore, #tpu.memory_space<semaphore_mem>>) src(%arg14 : memref<50x16xf32, #tpu.memory_space<vmem>>) dst(%dma_wait3A_100 : memref<10240x16xf32, #tpu.memory_space<vmem_shared>>)
        tpu.yield
      }) : () -> ()
      %add3A_64 = arith.constant 2 : i32
      %add3A_65 = arith.addi %mul3A_36, %add3A_64 : i32
      %lt3A = arith.constant 200 : i32
      %lt3A_66 = arith.cmpi slt, %add3A_65, %lt3A : i32
      %convert_element_type3A = arith.extui %lt3A_66 : i1 to i32
      %cond3A = arith.constant 0 : i32
      %cond3A_67 = arith.cmpi ne, %convert_element_type3A, %cond3A : i32
      scf.if %cond3A_67 {
        %add3A_89 = arith.constant 2 : i32
        %add3A_90 = arith.addi %mul3A_36, %add3A_89 : i32
        %dma_start3A_91 = arith.constant 0 : i32
        %dma_start3A_92 = tpu.memref_slice %arg10[%add3A_90, %dma_start3A_91] : memref<200x50xi32, #tpu.memory_space<vmem>> -> memref<1x50xi32, #tpu.memory_space<vmem>>
        %dma_start3A_93 = tpu.memref_squeeze %dma_start3A_92 : memref<1x50xi32, #tpu.memory_space<vmem>> -> memref<50xi32, #tpu.memory_space<vmem>>
        %dma_start3A_94 = arith.constant 0 : i32
        %dma_start3A_95 = arith.constant 0 : i32
        %dma_start3A_96 = tpu.memref_slice %arg4[%dma_start3A_94, %dma_start3A_95] : memref<10000x128xf32, #tpu.memory_space<hbm>> -> memref<10000x128xf32, #tpu.memory_space<hbm>>
        tpu.enqueue_indirect_dma source(%dma_start3A_96 : memref<10000x128xf32, #tpu.memory_space<hbm>>) target(%arg12 : memref<50x128xf32, #tpu.memory_space<vmem>>) offsets(%dma_start3A_93 : memref<50xi32, #tpu.memory_space<vmem>>) semaphore(%arg18 : memref<!tpu.dma_semaphore, #tpu.memory_space<semaphore_mem>>)
        %add3A_97 = arith.constant 2 : i32
        %add3A_98 = arith.addi %mul3A_36, %add3A_97 : i32
        %dma_start3A_99 = arith.constant 0 : i32
        %dma_start3A_100 = tpu.memref_slice %arg10[%add3A_98, %dma_start3A_99] : memref<200x50xi32, #tpu.memory_space<vmem>> -> memref<1x50xi32, #tpu.memory_space<vmem>>
        %dma_start3A_101 = tpu.memref_squeeze %dma_start3A_100 : memref<1x50xi32, #tpu.memory_space<vmem>> -> memref<50xi32, #tpu.memory_space<vmem>>
        %dma_start3A_102 = arith.constant 0 : i32
        %dma_start3A_103 = arith.constant 0 : i32
        %dma_start3A_104 = tpu.memref_slice %arg5[%dma_start3A_102, %dma_start3A_103] : memref<10240x16xf32, #tpu.memory_space<hbm>> -> memref<10240x16xf32, #tpu.memory_space<hbm>>
        tpu.enqueue_indirect_dma source(%dma_start3A_104 : memref<10240x16xf32, #tpu.memory_space<hbm>>) target(%arg14 : memref<50x16xf32, #tpu.memory_space<vmem>>) offsets(%dma_start3A_101 : memref<50xi32, #tpu.memory_space<vmem>>) semaphore(%arg20 : memref<!tpu.dma_semaphore, #tpu.memory_space<semaphore_mem>>)
      } else {
      }
      %add3A_68 = arith.constant 1 : i32
      %add3A_69 = arith.addi %mul3A_36, %add3A_68 : i32
      %dma_wait3A_70 = arith.constant 0 : i32
      %dma_wait3A_71 = tpu.memref_slice %arg10[%add3A_69, %dma_wait3A_70] : memref<200x50xi32, #tpu.memory_space<vmem>> -> memref<1x50xi32, #tpu.memory_space<vmem>>
      %dma_wait3A_72 = tpu.memref_squeeze %dma_wait3A_71 : memref<1x50xi32, #tpu.memory_space<vmem>> -> memref<50xi32, #tpu.memory_space<vmem>>
      %dma_wait3A_73 = arith.constant 0 : i32
      %dma_wait3A_74 = arith.constant 0 : i32
      %dma_wait3A_75 = tpu.memref_slice %arg4[%dma_wait3A_73, %dma_wait3A_74] : memref<10000x128xf32, #tpu.memory_space<hbm>> -> memref<10000x128xf32, #tpu.memory_space<hbm>>
      tpu.wait_indirect_dma semaphore(%arg19 : memref<!tpu.dma_semaphore, #tpu.memory_space<semaphore_mem>>) src(%dma_wait3A_75 : memref<10000x128xf32, #tpu.memory_space<hbm>>) dst(%arg13 : memref<50x128xf32, #tpu.memory_space<vmem>>)
      %add3A_76 = arith.constant 1 : i32
      %add3A_77 = arith.addi %mul3A_36, %add3A_76 : i32
      %dma_wait3A_78 = arith.constant 0 : i32
      %dma_wait3A_79 = tpu.memref_slice %arg10[%add3A_77, %dma_wait3A_78] : memref<200x50xi32, #tpu.memory_space<vmem>> -> memref<1x50xi32, #tpu.memory_space<vmem>>
      %dma_wait3A_80 = tpu.memref_squeeze %dma_wait3A_79 : memref<1x50xi32, #tpu.memory_space<vmem>> -> memref<50xi32, #tpu.memory_space<vmem>>
      %dma_wait3A_81 = arith.constant 0 : i32
      %dma_wait3A_82 = arith.constant 0 : i32
      %dma_wait3A_83 = tpu.memref_slice %arg5[%dma_wait3A_81, %dma_wait3A_82] : memref<10240x16xf32, #tpu.memory_space<hbm>> -> memref<10240x16xf32, #tpu.memory_space<hbm>>
      tpu.wait_indirect_dma semaphore(%arg21 : memref<!tpu.dma_semaphore, #tpu.memory_space<semaphore_mem>>) src(%dma_wait3A_83 : memref<10240x16xf32, #tpu.memory_space<hbm>>) dst(%arg15 : memref<50x16xf32, #tpu.memory_space<vmem>>)
      %add3A_84 = arith.constant 1 : i32
      %add3A_85 = arith.addi %mul3A_36, %add3A_84 : i32
      "tpu.region"() ({
        %run_scoped3A = tpu.sem_alloc : memref<!tpu.dma_semaphore, #tpu.memory_space<semaphore_mem>>
        %dma_start3A_89 = arith.constant 0 : i32
        %dma_start3A_90 = tpu.memref_slice %arg11[%add3A_85, %dma_start3A_89] : memref<200x50xi32, #tpu.memory_space<vmem>> -> memref<1x50xi32, #tpu.memory_space<vmem>>
        %dma_start3A_91 = tpu.memref_squeeze %dma_start3A_90 : memref<1x50xi32, #tpu.memory_space<vmem>> -> memref<50xi32, #tpu.memory_space<vmem>>
        %dma_start3A_92 = arith.constant 0 : i32
        %dma_start3A_93 = arith.constant 0 : i32
        %dma_start3A_94 = tpu.memref_slice %arg16[%dma_start3A_92, %dma_start3A_93] : memref<10240x128xf32, #tpu.memory_space<vmem_shared>> -> memref<10240x128xf32, #tpu.memory_space<vmem_shared>>
        tpu.enqueue_indirect_dma source(%arg13 : memref<50x128xf32, #tpu.memory_space<vmem>>) target(%dma_start3A_94 : memref<10240x128xf32, #tpu.memory_space<vmem_shared>>) offsets(%dma_start3A_91 : memref<50xi32, #tpu.memory_space<vmem>>) semaphore(%run_scoped3A : memref<!tpu.dma_semaphore, #tpu.memory_space<semaphore_mem>>) {add = true}
        %dma_wait3A_95 = arith.constant 0 : i32
        %dma_wait3A_96 = tpu.memref_slice %arg11[%add3A_85, %dma_wait3A_95] : memref<200x50xi32, #tpu.memory_space<vmem>> -> memref<1x50xi32, #tpu.memory_space<vmem>>
        %dma_wait3A_97 = tpu.memref_squeeze %dma_wait3A_96 : memref<1x50xi32, #tpu.memory_space<vmem>> -> memref<50xi32, #tpu.memory_space<vmem>>
        %dma_wait3A_98 = arith.constant 0 : i32
        %dma_wait3A_99 = arith.constant 0 : i32
        %dma_wait3A_100 = tpu.memref_slice %arg16[%dma_wait3A_98, %dma_wait3A_99] : memref<10240x128xf32, #tpu.memory_space<vmem_shared>> -> memref<10240x128xf32, #tpu.memory_space<vmem_shared>>
        tpu.wait_indirect_dma semaphore(%run_scoped3A : memref<!tpu.dma_semaphore, #tpu.memory_space<semaphore_mem>>) src(%arg13 : memref<50x128xf32, #tpu.memory_space<vmem>>) dst(%dma_wait3A_100 : memref<10240x128xf32, #tpu.memory_space<vmem_shared>>)
        tpu.yield
      }) : () -> ()
      %add3A_86 = arith.constant 1 : i32
      %add3A_87 = arith.addi %mul3A_36, %add3A_86 : i32
      "tpu.region"() ({
        %run_scoped3A = tpu.sem_alloc : memref<!tpu.dma_semaphore, #tpu.memory_space<semaphore_mem>>
        %dma_start3A_89 = arith.constant 0 : i32
        %dma_start3A_90 = tpu.memref_slice %arg11[%add3A_87, %dma_start3A_89] : memref<200x50xi32, #tpu.memory_space<vmem>> -> memref<1x50xi32, #tpu.memory_space<vmem>>
        %dma_start3A_91 = tpu.memref_squeeze %dma_start3A_90 : memref<1x50xi32, #tpu.memory_space<vmem>> -> memref<50xi32, #tpu.memory_space<vmem>>
        %dma_start3A_92 = arith.constant 0 : i32
        %dma_start3A_93 = arith.constant 0 : i32
        %dma_start3A_94 = tpu.memref_slice %arg17[%dma_start3A_92, %dma_start3A_93] : memref<10240x16xf32, #tpu.memory_space<vmem_shared>> -> memref<10240x16xf32, #tpu.memory_space<vmem_shared>>
        tpu.enqueue_indirect_dma source(%arg15 : memref<50x16xf32, #tpu.memory_space<vmem>>) target(%dma_start3A_94 : memref<10240x16xf32, #tpu.memory_space<vmem_shared>>) offsets(%dma_start3A_91 : memref<50xi32, #tpu.memory_space<vmem>>) semaphore(%run_scoped3A : memref<!tpu.dma_semaphore, #tpu.memory_space<semaphore_mem>>) {add = true}
        %dma_wait3A_95 = arith.constant 0 : i32
        %dma_wait3A_96 = tpu.memref_slice %arg11[%add3A_87, %dma_wait3A_95] : memref<200x50xi32, #tpu.memory_space<vmem>> -> memref<1x50xi32, #tpu.memory_space<vmem>>
        %dma_wait3A_97 = tpu.memref_squeeze %dma_wait3A_96 : memref<1x50xi32, #tpu.memory_space<vmem>> -> memref<50xi32, #tpu.memory_space<vmem>>
        %dma_wait3A_98 = arith.constant 0 : i32
        %dma_wait3A_99 = arith.constant 0 : i32
        %dma_wait3A_100 = tpu.memref_slice %arg17[%dma_wait3A_98, %dma_wait3A_99] : memref<10240x16xf32, #tpu.memory_space<vmem_shared>> -> memref<10240x16xf32, #tpu.memory_space<vmem_shared>>
        tpu.wait_indirect_dma semaphore(%run_scoped3A : memref<!tpu.dma_semaphore, #tpu.memory_space<semaphore_mem>>) src(%arg15 : memref<50x16xf32, #tpu.memory_space<vmem>>) dst(%dma_wait3A_100 : memref<10240x16xf32, #tpu.memory_space<vmem_shared>>)
        tpu.yield
      }) : () -> ()
      %scan3A_88 = arith.constant 0 : i32
      scf.yield %scan3A_88 : i32
    }
    %scan3A_23 = arith.constant 100 : i32
    %barrier3A_24 = arith.constant 0 : index
    tpu.barrier barrier_id(%barrier3A_24)
    %mul3A_25 = arith.constant 640 : i32
    %mul3A_26 = arith.muli %arg1, %mul3A_25 : i32
    %mul3A_27 = arith.constant 640 : i32
    %mul3A_28 = arith.muli %arg1, %mul3A_27 : i32
    "tpu.region"() ({
      %run_scoped3A = tpu.sem_alloc : memref<!tpu.dma_semaphore, #tpu.memory_space<semaphore_mem>>
      %dma_start3A_33 = arith.constant 0 : i32
      %dma_start3A_34 = tpu.memref_slice %arg8[%arg0, %mul3A_28, %dma_start3A_33] : memref<2x10240x128xf32, #tpu.memory_space<hbm>> -> memref<1x640x128xf32, #tpu.memory_space<hbm>>
      %dma_start3A_35 = tpu.memref_squeeze %dma_start3A_34 : memref<1x640x128xf32, #tpu.memory_space<hbm>> -> memref<640x128xf32, #tpu.memory_space<hbm>>
      %dma_start3A_36 = arith.constant 0 : i32
      %dma_start3A_37 = tpu.memref_slice %arg16[%mul3A_26, %dma_start3A_36] : memref<10240x128xf32, #tpu.memory_space<vmem_shared>> -> memref<640x128xf32, #tpu.memory_space<vmem_shared>>
      tpu.enqueue_dma source(%dma_start3A_37 : memref<640x128xf32, #tpu.memory_space<vmem_shared>>) target(%dma_start3A_35 : memref<640x128xf32, #tpu.memory_space<hbm>>) target_semaphore(%run_scoped3A : memref<!tpu.dma_semaphore, #tpu.memory_space<semaphore_mem>>)
      %dma_wait3A = arith.constant 0 : i32
      %dma_wait3A_38 = tpu.memref_slice %arg8[%arg0, %mul3A_28, %dma_wait3A] : memref<2x10240x128xf32, #tpu.memory_space<hbm>> -> memref<1x640x128xf32, #tpu.memory_space<hbm>>
      %dma_wait3A_39 = tpu.memref_squeeze %dma_wait3A_38 : memref<1x640x128xf32, #tpu.memory_space<hbm>> -> memref<640x128xf32, #tpu.memory_space<hbm>>
      %dma_wait3A_40 = arith.constant 0 : i32
      %dma_wait3A_41 = tpu.memref_slice %arg16[%mul3A_26, %dma_wait3A_40] : memref<10240x128xf32, #tpu.memory_space<vmem_shared>> -> memref<640x128xf32, #tpu.memory_space<vmem_shared>>
      tpu.wait_dma2 semaphore(%run_scoped3A : memref<!tpu.dma_semaphore, #tpu.memory_space<semaphore_mem>>) src(%dma_wait3A_41 : memref<640x128xf32, #tpu.memory_space<vmem_shared>>) dst(%dma_wait3A_39 : memref<640x128xf32, #tpu.memory_space<hbm>>)
      tpu.yield
    }) : () -> ()
    %mul3A_29 = arith.constant 640 : i32
    %mul3A_30 = arith.muli %arg1, %mul3A_29 : i32
    %mul3A_31 = arith.constant 640 : i32
    %mul3A_32 = arith.muli %arg1, %mul3A_31 : i32
    "tpu.region"() ({
      %run_scoped3A = tpu.sem_alloc : memref<!tpu.dma_semaphore, #tpu.memory_space<semaphore_mem>>
      %dma_start3A_33 = arith.constant 0 : i32
      %dma_start3A_34 = tpu.memref_slice %arg9[%arg0, %mul3A_32, %dma_start3A_33] : memref<2x10240x16xf32, #tpu.memory_space<hbm>> -> memref<1x640x16xf32, #tpu.memory_space<hbm>>
      %dma_start3A_35 = tpu.memref_squeeze %dma_start3A_34 : memref<1x640x16xf32, #tpu.memory_space<hbm>> -> memref<640x16xf32, #tpu.memory_space<hbm>>
      %dma_start3A_36 = arith.constant 0 : i32
      %dma_start3A_37 = tpu.memref_slice %arg17[%mul3A_30, %dma_start3A_36] : memref<10240x16xf32, #tpu.memory_space<vmem_shared>> -> memref<640x16xf32, #tpu.memory_space<vmem_shared>>
      tpu.enqueue_dma source(%dma_start3A_37 : memref<640x16xf32, #tpu.memory_space<vmem_shared>>) target(%dma_start3A_35 : memref<640x16xf32, #tpu.memory_space<hbm>>) target_semaphore(%run_scoped3A : memref<!tpu.dma_semaphore, #tpu.memory_space<semaphore_mem>>)
      %dma_wait3A = arith.constant 0 : i32
      %dma_wait3A_38 = tpu.memref_slice %arg9[%arg0, %mul3A_32, %dma_wait3A] : memref<2x10240x16xf32, #tpu.memory_space<hbm>> -> memref<1x640x16xf32, #tpu.memory_space<hbm>>
      %dma_wait3A_39 = tpu.memref_squeeze %dma_wait3A_38 : memref<1x640x16xf32, #tpu.memory_space<hbm>> -> memref<640x16xf32, #tpu.memory_space<hbm>>
      %dma_wait3A_40 = arith.constant 0 : i32
      %dma_wait3A_41 = tpu.memref_slice %arg17[%mul3A_30, %dma_wait3A_40] : memref<10240x16xf32, #tpu.memory_space<vmem_shared>> -> memref<640x16xf32, #tpu.memory_space<vmem_shared>>
      tpu.wait_dma2 semaphore(%run_scoped3A : memref<!tpu.dma_semaphore, #tpu.memory_space<semaphore_mem>>) src(%dma_wait3A_41 : memref<640x16xf32, #tpu.memory_space<vmem_shared>>) dst(%dma_wait3A_39 : memref<640x16xf32, #tpu.memory_space<hbm>>)
      tpu.yield
    }) : () -> ()
    return
  }
}

#map = affine_map<(d0, d1) -> (0, 0, 0)>
#map1 = affine_map<(d0, d1) -> (0, 0)>
module attributes {stable_mosaic.version = 14 : i64} {
  func.func @_deg_body(%arg0: i32, %arg1: i32, %arg2: memref<32x200x50xi32, #tpu.memory_space<hbm>>, %arg3: memref<50x16xf32, #tpu.memory_space<hbm>>, %arg4: memref<640x16xf32, #tpu.memory_space<hbm>>, %arg5: memref<2x10240x16xf32, #tpu.memory_space<hbm>>, %arg6: memref<200x50xi32, #tpu.memory_space<vmem>>, %arg7: memref<50x16xf32, #tpu.memory_space<vmem>>, %arg8: memref<10240x16xf32, #tpu.memory_space<vmem_shared>>, %arg9: memref<!tpu.dma_semaphore, #tpu.memory_space<semaphore_mem>>) attributes {dimension_semantics = [#tpu.dimension_semantics<core_parallel>, #tpu.dimension_semantics<subcore_parallel>], iteration_bounds = array<i64: 2, 16>, scalar_prefetch = 0 : i64, scratch_operands = 4 : i64, tpu.core_type = #tpu.core_type<sc_vector_subcore>, window_params = [{transform_indices = #map}, {transform_indices = #map1}, {transform_indices = #map1}, {transform_indices = #map}]} {
    %mul3A = arith.constant 16 : i32
    %mul3A_0 = arith.muli %arg0, %mul3A : i32
    %add3A = arith.addi %mul3A_0, %arg1 : i32
    %mul3A_1 = arith.constant 640 : i32
    %mul3A_2 = arith.muli %arg1, %mul3A_1 : i32
    "tpu.region"() ({
      %run_scoped3A = tpu.sem_alloc : memref<!tpu.dma_semaphore, #tpu.memory_space<semaphore_mem>>
      %dma_start3A = arith.constant 0 : i32
      %dma_start3A_14 = tpu.memref_slice %arg8[%mul3A_2, %dma_start3A] : memref<10240x16xf32, #tpu.memory_space<vmem_shared>> -> memref<640x16xf32, #tpu.memory_space<vmem_shared>>
      tpu.enqueue_dma source(%arg4 : memref<640x16xf32, #tpu.memory_space<hbm>>) target(%dma_start3A_14 : memref<640x16xf32, #tpu.memory_space<vmem_shared>>) target_semaphore(%run_scoped3A : memref<!tpu.dma_semaphore, #tpu.memory_space<semaphore_mem>>)
      %dma_wait3A = arith.constant 0 : i32
      %dma_wait3A_15 = tpu.memref_slice %arg8[%mul3A_2, %dma_wait3A] : memref<10240x16xf32, #tpu.memory_space<vmem_shared>> -> memref<640x16xf32, #tpu.memory_space<vmem_shared>>
      tpu.wait_dma2 semaphore(%run_scoped3A : memref<!tpu.dma_semaphore, #tpu.memory_space<semaphore_mem>>) src(%arg4 : memref<640x16xf32, #tpu.memory_space<hbm>>) dst(%dma_wait3A_15 : memref<640x16xf32, #tpu.memory_space<vmem_shared>>)
      tpu.yield
    }) : () -> ()
    "tpu.region"() ({
      %run_scoped3A = tpu.sem_alloc : memref<!tpu.dma_semaphore, #tpu.memory_space<semaphore_mem>>
      tpu.enqueue_dma source(%arg3 : memref<50x16xf32, #tpu.memory_space<hbm>>) target(%arg7 : memref<50x16xf32, #tpu.memory_space<vmem>>) target_semaphore(%run_scoped3A : memref<!tpu.dma_semaphore, #tpu.memory_space<semaphore_mem>>)
      tpu.wait_dma2 semaphore(%run_scoped3A : memref<!tpu.dma_semaphore, #tpu.memory_space<semaphore_mem>>) src(%arg3 : memref<50x16xf32, #tpu.memory_space<hbm>>) dst(%arg7 : memref<50x16xf32, #tpu.memory_space<vmem>>)
      tpu.yield
    }) : () -> ()
    "tpu.region"() ({
      %run_scoped3A = tpu.sem_alloc : memref<!tpu.dma_semaphore, #tpu.memory_space<semaphore_mem>>
      %dma_start3A = arith.constant 0 : i32
      %dma_start3A_14 = arith.constant 0 : i32
      %dma_start3A_15 = tpu.memref_slice %arg2[%add3A, %dma_start3A, %dma_start3A_14] : memref<32x200x50xi32, #tpu.memory_space<hbm>> -> memref<1x200x50xi32, #tpu.memory_space<hbm>>
      %dma_start3A_16 = tpu.memref_squeeze %dma_start3A_15 : memref<1x200x50xi32, #tpu.memory_space<hbm>> -> memref<200x50xi32, #tpu.memory_space<hbm>>
      %dma_start3A_17 = arith.constant 0 : i32
      %dma_start3A_18 = arith.constant 0 : i32
      %dma_start3A_19 = tpu.memref_slice %arg2[%add3A, %dma_start3A_17, %dma_start3A_18] : memref<32x200x50xi32, #tpu.memory_space<hbm>> -> memref<1x200x50xi32, #tpu.memory_space<hbm>>
      %dma_start3A_20 = tpu.memref_squeeze %dma_start3A_19 : memref<1x200x50xi32, #tpu.memory_space<hbm>> -> memref<200x50xi32, #tpu.memory_space<hbm>>
      tpu.enqueue_dma source(%dma_start3A_20 : memref<200x50xi32, #tpu.memory_space<hbm>>) target(%arg6 : memref<200x50xi32, #tpu.memory_space<vmem>>) target_semaphore(%run_scoped3A : memref<!tpu.dma_semaphore, #tpu.memory_space<semaphore_mem>>)
      %dma_wait3A = arith.constant 0 : i32
      %dma_wait3A_21 = arith.constant 0 : i32
      %dma_wait3A_22 = tpu.memref_slice %arg2[%add3A, %dma_wait3A, %dma_wait3A_21] : memref<32x200x50xi32, #tpu.memory_space<hbm>> -> memref<1x200x50xi32, #tpu.memory_space<hbm>>
      %dma_wait3A_23 = tpu.memref_squeeze %dma_wait3A_22 : memref<1x200x50xi32, #tpu.memory_space<hbm>> -> memref<200x50xi32, #tpu.memory_space<hbm>>
      %dma_wait3A_24 = arith.constant 0 : i32
      %dma_wait3A_25 = arith.constant 0 : i32
      %dma_wait3A_26 = tpu.memref_slice %arg2[%add3A, %dma_wait3A_24, %dma_wait3A_25] : memref<32x200x50xi32, #tpu.memory_space<hbm>> -> memref<1x200x50xi32, #tpu.memory_space<hbm>>
      %dma_wait3A_27 = tpu.memref_squeeze %dma_wait3A_26 : memref<1x200x50xi32, #tpu.memory_space<hbm>> -> memref<200x50xi32, #tpu.memory_space<hbm>>
      tpu.wait_dma2 semaphore(%run_scoped3A : memref<!tpu.dma_semaphore, #tpu.memory_space<semaphore_mem>>) src(%dma_wait3A_27 : memref<200x50xi32, #tpu.memory_space<hbm>>) dst(%arg6 : memref<200x50xi32, #tpu.memory_space<vmem>>)
      tpu.yield
    }) : () -> ()
    %barrier3A = arith.constant 0 : index
    tpu.barrier barrier_id(%barrier3A)
    %scan3A = arith.constant 0 : i32
    %scan3A_3 = arith.constant 0 : i32
    %scan3A_4 = arith.constant 200 : i32
    %scan3A_5 = arith.addi %scan3A_3, %scan3A_4 : i32
    %scan3A_6 = arith.constant 1 : i32
    %scan3A_7 = scf.for %scan3A_14 = %scan3A_3 to %scan3A_5 step %scan3A_6 iter_args(%scan3A_15 = %scan3A) -> (i32)  : i32 {
      "tpu.region"() ({
        %run_scoped3A = tpu.sem_alloc : memref<!tpu.dma_semaphore, #tpu.memory_space<semaphore_mem>>
        %dma_start3A = arith.constant 0 : i32
        %dma_start3A_17 = tpu.memref_slice %arg6[%scan3A_14, %dma_start3A] : memref<200x50xi32, #tpu.memory_space<vmem>> -> memref<1x50xi32, #tpu.memory_space<vmem>>
        %dma_start3A_18 = tpu.memref_squeeze %dma_start3A_17 : memref<1x50xi32, #tpu.memory_space<vmem>> -> memref<50xi32, #tpu.memory_space<vmem>>
        %dma_start3A_19 = arith.constant 0 : i32
        %dma_start3A_20 = arith.constant 0 : i32
        %dma_start3A_21 = tpu.memref_slice %arg8[%dma_start3A_19, %dma_start3A_20] : memref<10240x16xf32, #tpu.memory_space<vmem_shared>> -> memref<10240x16xf32, #tpu.memory_space<vmem_shared>>
        tpu.enqueue_indirect_dma source(%arg7 : memref<50x16xf32, #tpu.memory_space<vmem>>) target(%dma_start3A_21 : memref<10240x16xf32, #tpu.memory_space<vmem_shared>>) offsets(%dma_start3A_18 : memref<50xi32, #tpu.memory_space<vmem>>) semaphore(%run_scoped3A : memref<!tpu.dma_semaphore, #tpu.memory_space<semaphore_mem>>) {add = true}
        %dma_wait3A = arith.constant 0 : i32
        %dma_wait3A_22 = tpu.memref_slice %arg6[%scan3A_14, %dma_wait3A] : memref<200x50xi32, #tpu.memory_space<vmem>> -> memref<1x50xi32, #tpu.memory_space<vmem>>
        %dma_wait3A_23 = tpu.memref_squeeze %dma_wait3A_22 : memref<1x50xi32, #tpu.memory_space<vmem>> -> memref<50xi32, #tpu.memory_space<vmem>>
        %dma_wait3A_24 = arith.constant 0 : i32
        %dma_wait3A_25 = arith.constant 0 : i32
        %dma_wait3A_26 = tpu.memref_slice %arg8[%dma_wait3A_24, %dma_wait3A_25] : memref<10240x16xf32, #tpu.memory_space<vmem_shared>> -> memref<10240x16xf32, #tpu.memory_space<vmem_shared>>
        tpu.wait_indirect_dma semaphore(%run_scoped3A : memref<!tpu.dma_semaphore, #tpu.memory_space<semaphore_mem>>) src(%arg7 : memref<50x16xf32, #tpu.memory_space<vmem>>) dst(%dma_wait3A_26 : memref<10240x16xf32, #tpu.memory_space<vmem_shared>>)
        tpu.yield
      }) : () -> ()
      %scan3A_16 = arith.constant 0 : i32
      scf.yield %scan3A_16 : i32
    }
    %scan3A_8 = arith.constant 200 : i32
    %barrier3A_9 = arith.constant 0 : index
    tpu.barrier barrier_id(%barrier3A_9)
    %mul3A_10 = arith.constant 640 : i32
    %mul3A_11 = arith.muli %arg1, %mul3A_10 : i32
    %mul3A_12 = arith.constant 640 : i32
    %mul3A_13 = arith.muli %arg1, %mul3A_12 : i32
    "tpu.region"() ({
      %run_scoped3A = tpu.sem_alloc : memref<!tpu.dma_semaphore, #tpu.memory_space<semaphore_mem>>
      %dma_start3A = arith.constant 0 : i32
      %dma_start3A_14 = tpu.memref_slice %arg5[%arg0, %mul3A_13, %dma_start3A] : memref<2x10240x16xf32, #tpu.memory_space<hbm>> -> memref<1x640x16xf32, #tpu.memory_space<hbm>>
      %dma_start3A_15 = tpu.memref_squeeze %dma_start3A_14 : memref<1x640x16xf32, #tpu.memory_space<hbm>> -> memref<640x16xf32, #tpu.memory_space<hbm>>
      %dma_start3A_16 = arith.constant 0 : i32
      %dma_start3A_17 = tpu.memref_slice %arg8[%mul3A_11, %dma_start3A_16] : memref<10240x16xf32, #tpu.memory_space<vmem_shared>> -> memref<640x16xf32, #tpu.memory_space<vmem_shared>>
      tpu.enqueue_dma source(%dma_start3A_17 : memref<640x16xf32, #tpu.memory_space<vmem_shared>>) target(%dma_start3A_15 : memref<640x16xf32, #tpu.memory_space<hbm>>) target_semaphore(%run_scoped3A : memref<!tpu.dma_semaphore, #tpu.memory_space<semaphore_mem>>)
      %dma_wait3A = arith.constant 0 : i32
      %dma_wait3A_18 = tpu.memref_slice %arg5[%arg0, %mul3A_13, %dma_wait3A] : memref<2x10240x16xf32, #tpu.memory_space<hbm>> -> memref<1x640x16xf32, #tpu.memory_space<hbm>>
      %dma_wait3A_19 = tpu.memref_squeeze %dma_wait3A_18 : memref<1x640x16xf32, #tpu.memory_space<hbm>> -> memref<640x16xf32, #tpu.memory_space<hbm>>
      %dma_wait3A_20 = arith.constant 0 : i32
      %dma_wait3A_21 = tpu.memref_slice %arg8[%mul3A_11, %dma_wait3A_20] : memref<10240x16xf32, #tpu.memory_space<vmem_shared>> -> memref<640x16xf32, #tpu.memory_space<vmem_shared>>
      tpu.wait_dma2 semaphore(%run_scoped3A : memref<!tpu.dma_semaphore, #tpu.memory_space<semaphore_mem>>) src(%dma_wait3A_21 : memref<640x16xf32, #tpu.memory_space<vmem_shared>>) dst(%dma_wait3A_19 : memref<640x16xf32, #tpu.memory_space<hbm>>)
      tpu.yield
    }) : () -> ()
    return
  }
}

module attributes {stable_mosaic.version = 14 : i64} {
  func.func @_h_body(%arg0: i32, %arg1: memref<1000x128xf32, #tpu.memory_space<vmem>>, %arg2: memref<128x128xf32, #tpu.memory_space<vmem>>, %arg3: memref<1000x128xf32, #tpu.memory_space<vmem>>) attributes {dimension_semantics = [#tpu.dimension_semantics<arbitrary>], iteration_bounds = array<i64: 10>, scalar_prefetch = 0 : i64, scratch_operands = 0 : i64, tpu.core_type = #tpu.core_type<tc>, window_params = [{transform_indices = @transform_0, window_bounds = array<i64: 1000, 128>}, {pipeline_mode = #tpu.pipeline_mode<synchronous>, transform_indices = @transform_1, window_bounds = array<i64: 128, 128>}, {transform_indices = @transform_2, window_bounds = array<i64: 1000, 128>}]} {
    %get3A = arith.constant 0 : index
    %get3A_0 = arith.constant 0 : index
    %get3A_1 = vector.load %arg1[%get3A, %get3A_0] : memref<1000x128xf32, #tpu.memory_space<vmem>>, vector<1000x128xf32>
    %get3A_2 = arith.constant 0 : index
    %get3A_3 = arith.constant 0 : index
    %get3A_4 = vector.load %arg2[%get3A_2, %get3A_3] : memref<128x128xf32, #tpu.memory_space<vmem>>, vector<128x128xf32>
    %dot_general3A = arith.constant dense<0.000000e+00> : vector<1000x128xf32>
    %dot_general3A_5 = tpu.matmul %get3A_1, %get3A_4, %dot_general3A {dimension_numbers = #tpu.dot_dimension_numbers<[1], [0], [0], [1], [0, 0, 1, 1], [], []>, transpose_lhs_hint = false} : vector<1000x128xf32>, vector<128x128xf32>, vector<1000x128xf32> -> vector<1000x128xf32>
    %mul3A = arith.mulf %dot_general3A_5, %dot_general3A_5 : vector<1000x128xf32>
    %reduce_sum3A = arith.constant dense<0.000000e+00> : vector<1000xf32>
    %reduce_sum3A_6 = vector.multi_reduction <add>, %mul3A, %reduce_sum3A [1] : vector<1000x128xf32> to vector<1000xf32>
    %broadcast_in_dim3A = vector.shape_cast %reduce_sum3A_6 : vector<1000xf32> to vector<1000x1xf32>
    %sqrt3A = math.sqrt %broadcast_in_dim3A : vector<1000x1xf32>
    %max3A = arith.constant 9.99999996E-13 : f32
    %max3A_7 = vector.broadcast %max3A : f32 to vector<1000x1xf32>
    %max3A_8 = arith.maximumf %sqrt3A, %max3A_7 : vector<1000x1xf32>
    %div3A = vector.broadcast %max3A_8 : vector<1000x1xf32> to vector<1000x128xf32>
    %div3A_9 = arith.divf %dot_general3A_5, %div3A : vector<1000x128xf32>
    %swap3A = arith.constant 0 : index
    %swap3A_10 = arith.constant 0 : index
    %swap3A_11 = vector.load %arg3[%swap3A, %swap3A_10] : memref<1000x128xf32, #tpu.memory_space<vmem>>, vector<1000x128xf32>
    tpu.vector_store %arg3[%swap3A, %swap3A_10], %div3A_9 {strides = array<i32>} : memref<1000x128xf32, #tpu.memory_space<vmem>>, vector<1000x128xf32>,
    return
  }
  func.func @transform_0(%arg0: i32) -> (i32, i32) {
    %c0_i32 = arith.constant 0 : i32
    %c0_i32_0 = arith.constant 0 : i32
    return %arg0, %c0_i32 : i32, i32
  }
  func.func @transform_1(%arg0: i32) -> (i32, i32) {
    %c0_i32 = arith.constant 0 : i32
    %c0_i32_0 = arith.constant 0 : i32
    %c0_i32_1 = arith.constant 0 : i32
    return %c0_i32, %c0_i32_0 : i32, i32
  }
  func.func @transform_2(%arg0: i32) -> (i32, i32) {
    %c0_i32 = arith.constant 0 : i32
    %c0_i32_0 = arith.constant 0 : i32
    return %arg0, %c0_i32 : i32, i32
  }
}

module attributes {stable_mosaic.version = 14 : i64} {
  func.func @_dinvrow_body(%arg0: i32, %arg1: memref<2x1024x16xf32, #tpu.memory_space<vmem>>, %arg2: memref<1024x16xf32, #tpu.memory_space<vmem>>) attributes {dimension_semantics = [#tpu.dimension_semantics<arbitrary>], iteration_bounds = array<i64: 10>, scalar_prefetch = 0 : i64, scratch_operands = 0 : i64, tpu.core_type = #tpu.core_type<tc>, window_params = [{transform_indices = @transform_0, window_bounds = array<i64: 2, 1024, 16>}, {transform_indices = @transform_1, window_bounds = array<i64: 1024, 16>}]} {
    %get3A = arith.constant 0 : index
    %get3A_0 = arith.constant 0 : index
    %get3A_1 = arith.constant 0 : index
    %get3A_2 = vector.load %arg1[%get3A, %get3A_0, %get3A_1] : memref<2x1024x16xf32, #tpu.memory_space<vmem>>, vector<1x1024x16xf32>
    %get3A_3 = vector.shape_cast %get3A_2 : vector<1x1024x16xf32> to vector<1024x16xf32>
    %get3A_4 = arith.constant 1 : index
    %get3A_5 = arith.constant 0 : index
    %get3A_6 = arith.constant 0 : index
    %get3A_7 = vector.load %arg1[%get3A_4, %get3A_5, %get3A_6] : memref<2x1024x16xf32, #tpu.memory_space<vmem>>, vector<1x1024x16xf32>
    %get3A_8 = vector.shape_cast %get3A_7 : vector<1x1024x16xf32> to vector<1024x16xf32>
    %add3A = arith.addf %get3A_3, %get3A_8 : vector<1024x16xf32>
    %slice3A = vector.extract_strided_slice %add3A {offsets = [0, 0], sizes = [1024, 1], strides = [1, 1]} : vector<1024x16xf32> to vector<1024x1xf32>
    %gt3A = arith.constant 0.000000e+00 : f32
    %gt3A_9 = vector.broadcast %gt3A : f32 to vector<1024x1xf32>
    %gt3A_10 = arith.cmpf ogt, %slice3A, %gt3A_9 : vector<1024x1xf32>
    %max3A = arith.constant 9.99999996E-13 : f32
    %max3A_11 = vector.broadcast %max3A : f32 to vector<1024x1xf32>
    %max3A_12 = arith.maximumf %slice3A, %max3A_11 : vector<1024x1xf32>
    %rsqrt3A = math.rsqrt %max3A_12 : vector<1024x1xf32>
    %jit3A = arith.constant 0.000000e+00 : f32
    %broadcast_in_dim3A = vector.broadcast %jit3A : f32 to vector<1024x1xf32>
    %select_n3A = arith.select %gt3A_10, %rsqrt3A, %broadcast_in_dim3A : vector<1024x1xi1>, vector<1024x1xf32>
    %broadcast_in_dim3A_13 = vector.shape_cast %select_n3A : vector<1024x1xf32> to vector<1024x1xf32>
    %broadcast_in_dim3A_14 = vector.broadcast %broadcast_in_dim3A_13 : vector<1024x1xf32> to vector<1024x16xf32>
    %swap3A = arith.constant 0 : index
    %swap3A_15 = arith.constant 0 : index
    %swap3A_16 = vector.load %arg2[%swap3A, %swap3A_15] : memref<1024x16xf32, #tpu.memory_space<vmem>>, vector<1024x16xf32>
    tpu.vector_store %arg2[%swap3A, %swap3A_15], %broadcast_in_dim3A_14 {strides = array<i32>} : memref<1024x16xf32, #tpu.memory_space<vmem>>, vector<1024x16xf32>,
    return
  }
  func.func @transform_0(%arg0: i32) -> (i32, i32, i32) {
    %c0_i32 = arith.constant 0 : i32
    %c0_i32_0 = arith.constant 0 : i32
    %c0_i32_1 = arith.constant 0 : i32
    return %c0_i32, %arg0, %c0_i32_0 : i32, i32, i32
  }
  func.func @transform_1(%arg0: i32) -> (i32, i32) {
    %c0_i32 = arith.constant 0 : i32
    %c0_i32_0 = arith.constant 0 : i32
    return %arg0, %c0_i32 : i32, i32
  }
}

module attributes {stable_mosaic.version = 14 : i64} {
  func.func @_hs_body(%arg0: i32, %arg1: memref<2x1000x16xf32, #tpu.memory_space<vmem>>, %arg2: memref<1000x128xf32, #tpu.memory_space<vmem>>, %arg3: memref<1000x128xf32, #tpu.memory_space<vmem>>) attributes {dimension_semantics = [#tpu.dimension_semantics<arbitrary>], iteration_bounds = array<i64: 10>, scalar_prefetch = 0 : i64, scratch_operands = 0 : i64, tpu.core_type = #tpu.core_type<tc>, window_params = [{transform_indices = @transform_0, window_bounds = array<i64: 2, 1000, 16>}, {transform_indices = @transform_1, window_bounds = array<i64: 1000, 128>}, {transform_indices = @transform_2, window_bounds = array<i64: 1000, 128>}]} {
    %get3A = arith.constant 0 : index
    %get3A_0 = arith.constant 0 : index
    %get3A_1 = arith.constant 0 : index
    %get3A_2 = vector.load %arg1[%get3A, %get3A_0, %get3A_1] : memref<2x1000x16xf32, #tpu.memory_space<vmem>>, vector<1x1000x16xf32>
    %get3A_3 = vector.shape_cast %get3A_2 : vector<1x1000x16xf32> to vector<1000x16xf32>
    %get3A_4 = arith.constant 1 : index
    %get3A_5 = arith.constant 0 : index
    %get3A_6 = arith.constant 0 : index
    %get3A_7 = vector.load %arg1[%get3A_4, %get3A_5, %get3A_6] : memref<2x1000x16xf32, #tpu.memory_space<vmem>>, vector<1x1000x16xf32>
    %get3A_8 = vector.shape_cast %get3A_7 : vector<1x1000x16xf32> to vector<1000x16xf32>
    %add3A = arith.addf %get3A_3, %get3A_8 : vector<1000x16xf32>
    %slice3A = vector.extract_strided_slice %add3A {offsets = [0, 0], sizes = [1000, 1], strides = [1, 1]} : vector<1000x16xf32> to vector<1000x1xf32>
    %gt3A = arith.constant 0.000000e+00 : f32
    %gt3A_9 = vector.broadcast %gt3A : f32 to vector<1000x1xf32>
    %gt3A_10 = arith.cmpf ogt, %slice3A, %gt3A_9 : vector<1000x1xf32>
    %max3A = arith.constant 9.99999996E-13 : f32
    %max3A_11 = vector.broadcast %max3A : f32 to vector<1000x1xf32>
    %max3A_12 = arith.maximumf %slice3A, %max3A_11 : vector<1000x1xf32>
    %rsqrt3A = math.rsqrt %max3A_12 : vector<1000x1xf32>
    %jit3A = arith.constant 0.000000e+00 : f32
    %broadcast_in_dim3A = vector.broadcast %jit3A : f32 to vector<1000x1xf32>
    %select_n3A = arith.select %gt3A_10, %rsqrt3A, %broadcast_in_dim3A : vector<1000x1xi1>, vector<1000x1xf32>
    %get3A_13 = arith.constant 0 : index
    %get3A_14 = arith.constant 0 : index
    %get3A_15 = vector.load %arg2[%get3A_13, %get3A_14] : memref<1000x128xf32, #tpu.memory_space<vmem>>, vector<1000x128xf32>
    %mul3A = vector.broadcast %select_n3A : vector<1000x1xf32> to vector<1000x128xf32>
    %mul3A_16 = arith.mulf %get3A_15, %mul3A : vector<1000x128xf32>
    %swap3A = arith.constant 0 : index
    %swap3A_17 = arith.constant 0 : index
    %swap3A_18 = vector.load %arg3[%swap3A, %swap3A_17] : memref<1000x128xf32, #tpu.memory_space<vmem>>, vector<1000x128xf32>
    tpu.vector_store %arg3[%swap3A, %swap3A_17], %mul3A_16 {strides = array<i32>} : memref<1000x128xf32, #tpu.memory_space<vmem>>, vector<1000x128xf32>,
    return
  }
  func.func @transform_0(%arg0: i32) -> (i32, i32, i32) {
    %c0_i32 = arith.constant 0 : i32
    %c0_i32_0 = arith.constant 0 : i32
    %c0_i32_1 = arith.constant 0 : i32
    return %c0_i32, %arg0, %c0_i32_0 : i32, i32, i32
  }
  func.func @transform_1(%arg0: i32) -> (i32, i32) {
    %c0_i32 = arith.constant 0 : i32
    %c0_i32_0 = arith.constant 0 : i32
    return %arg0, %c0_i32 : i32, i32
  }
  func.func @transform_2(%arg0: i32) -> (i32, i32) {
    %c0_i32 = arith.constant 0 : i32
    %c0_i32_0 = arith.constant 0 : i32
    return %arg0, %c0_i32 : i32, i32
  }
}

module attributes {stable_mosaic.version = 14 : i64} {
  func.func @_tail_body(%arg0: i32, %arg1: memref<2x1000x128xf32, #tpu.memory_space<vmem>>, %arg2: memref<2x1000x16xf32, #tpu.memory_space<vmem>>, %arg3: memref<1000x128xf32, #tpu.memory_space<vmem>>, %arg4: memref<128x128xf32, #tpu.memory_space<vmem>>, %arg5: memref<128x128xf32, #tpu.memory_space<vmem>>, %arg6: memref<1x128xf32, #tpu.memory_space<vmem>>, %arg7: memref<128x128xf32, #tpu.memory_space<vmem>>, %arg8: memref<1x128xf32, #tpu.memory_space<vmem>>, %arg9: memref<128x128xf32, #tpu.memory_space<vmem>>, %arg10: memref<1x128xf32, #tpu.memory_space<vmem>>, %arg11: memref<128x128xf32, #tpu.memory_space<vmem>>, %arg12: memref<1x128xf32, #tpu.memory_space<vmem>>, %arg13: memref<128x128xf32, #tpu.memory_space<vmem>>, %arg14: memref<1x128xf32, #tpu.memory_space<vmem>>, %arg15: memref<128x128xf32, #tpu.memory_space<vmem>>, %arg16: memref<1x128xf32, #tpu.memory_space<vmem>>, %arg17: memref<1x128xf32, #tpu.memory_space<vmem>>, %arg18: memref<128x128xf32, #tpu.memory_space<vmem>>, %arg19: memref<1x128xf32, #tpu.memory_space<vmem>>, %arg20: memref<128x16xf32, #tpu.memory_space<vmem>>, %arg21: memref<1000x16xf32, #tpu.memory_space<vmem>>) attributes {dimension_semantics = [#tpu.dimension_semantics<arbitrary>], iteration_bounds = array<i64: 10>, scalar_prefetch = 0 : i64, scratch_operands = 0 : i64, tpu.core_type = #tpu.core_type<tc>, window_params = [{transform_indices = @transform_0, window_bounds = array<i64: 2, 1000, 128>}, {transform_indices = @transform_1, window_bounds = array<i64: 2, 1000, 16>}, {transform_indices = @transform_2, window_bounds = array<i64: 1000, 128>}, {pipeline_mode = #tpu.pipeline_mode<synchronous>, transform_indices = @transform_3, window_bounds = array<i64: 128, 128>}, {pipeline_mode = #tpu.pipeline_mode<synchronous>, transform_indices = @transform_4, window_bounds = array<i64: 128, 128>}, {pipeline_mode = #tpu.pipeline_mode<synchronous>, transform_indices = @transform_5, window_bounds = array<i64: 1, 128>}, {pipeline_mode = #tpu.pipeline_mode<synchronous>, transform_indices = @transform_6, window_bounds = array<i64: 128, 128>}, {pipeline_mode = #tpu.pipeline_mode<synchronous>, transform_indices = @transform_7, window_bounds = array<i64: 1, 128>}, {pipeline_mode = #tpu.pipeline_mode<synchronous>, transform_indices = @transform_8, window_bounds = array<i64: 128, 128>}, {pipeline_mode = #tpu.pipeline_mode<synchronous>, transform_indices = @transform_9, window_bounds = array<i64: 1, 128>}, {pipeline_mode = #tpu.pipeline_mode<synchronous>, transform_indices = @transform_10, window_bounds = array<i64: 128, 128>}, {pipeline_mode = #tpu.pipeline_mode<synchronous>, transform_indices = @transform_11, window_bounds = array<i64: 1, 128>}, {pipeline_mode = #tpu.pipeline_mode<synchronous>, transform_indices = @transform_12, window_bounds = array<i64: 128, 128>}, {pipeline_mode = #tpu.pipeline_mode<synchronous>, transform_indices = @transform_13, window_bounds = array<i64: 1, 128>}, {pipeline_mode = #tpu.pipeline_mode<synchronous>, transform_indices = @transform_14, window_bounds = array<i64: 128, 128>}, {pipeline_mode = #tpu.pipeline_mode<synchronous>, transform_indices = @transform_15, window_bounds = array<i64: 1, 128>}, {pipeline_mode = #tpu.pipeline_mode<synchronous>, transform_indices = @transform_16, window_bounds = array<i64: 1, 128>}, {pipeline_mode = #tpu.pipeline_mode<synchronous>, transform_indices = @transform_17, window_bounds = array<i64: 128, 128>}, {pipeline_mode = #tpu.pipeline_mode<synchronous>, transform_indices = @transform_18, window_bounds = array<i64: 1, 128>}, {pipeline_mode = #tpu.pipeline_mode<synchronous>, transform_indices = @transform_19, window_bounds = array<i64: 128, 16>}, {transform_indices = @transform_20, window_bounds = array<i64: 1000, 16>}]} {
    %get3A = arith.constant 0 : index
    %get3A_0 = arith.constant 0 : index
    %get3A_1 = arith.constant 0 : index
    %get3A_2 = vector.load %arg1[%get3A, %get3A_0, %get3A_1] : memref<2x1000x128xf32, #tpu.memory_space<vmem>>, vector<1x1000x128xf32>
    %get3A_3 = vector.shape_cast %get3A_2 : vector<1x1000x128xf32> to vector<1000x128xf32>
    %get3A_4 = arith.constant 1 : index
    %get3A_5 = arith.constant 0 : index
    %get3A_6 = arith.constant 0 : index
    %get3A_7 = vector.load %arg1[%get3A_4, %get3A_5, %get3A_6] : memref<2x1000x128xf32, #tpu.memory_space<vmem>>, vector<1x1000x128xf32>
    %get3A_8 = vector.shape_cast %get3A_7 : vector<1x1000x128xf32> to vector<1000x128xf32>
    %add3A = arith.addf %get3A_3, %get3A_8 : vector<1000x128xf32>
    %get3A_9 = arith.constant 0 : index
    %get3A_10 = arith.constant 0 : index
    %get3A_11 = arith.constant 0 : index
    %get3A_12 = vector.load %arg2[%get3A_9, %get3A_10, %get3A_11] : memref<2x1000x16xf32, #tpu.memory_space<vmem>>, vector<1x1000x16xf32>
    %get3A_13 = vector.shape_cast %get3A_12 : vector<1x1000x16xf32> to vector<1000x16xf32>
    %slice3A = vector.extract_strided_slice %get3A_13 {offsets = [0, 0], sizes = [1000, 1], strides = [1, 1]} : vector<1000x16xf32> to vector<1000x1xf32>
    %get3A_14 = arith.constant 1 : index
    %get3A_15 = arith.constant 0 : index
    %get3A_16 = arith.constant 0 : index
    %get3A_17 = vector.load %arg2[%get3A_14, %get3A_15, %get3A_16] : memref<2x1000x16xf32, #tpu.memory_space<vmem>>, vector<1x1000x16xf32>
    %get3A_18 = vector.shape_cast %get3A_17 : vector<1x1000x16xf32> to vector<1000x16xf32>
    %slice3A_19 = vector.extract_strided_slice %get3A_18 {offsets = [0, 0], sizes = [1000, 1], strides = [1, 1]} : vector<1000x16xf32> to vector<1000x1xf32>
    %add3A_20 = arith.addf %slice3A, %slice3A_19 : vector<1000x1xf32>
    %gt3A = arith.constant 0.000000e+00 : f32
    %gt3A_21 = vector.broadcast %gt3A : f32 to vector<1000x1xf32>
    %gt3A_22 = arith.cmpf ogt, %add3A_20, %gt3A_21 : vector<1000x1xf32>
    %jit3A = arith.constant 1.000000e+00 : f32
    %broadcast_in_dim3A = vector.broadcast %jit3A : f32 to vector<1000x1xf32>
    %select_n3A = arith.select %gt3A_22, %add3A_20, %broadcast_in_dim3A : vector<1000x1xi1>, vector<1000x1xf32>
    %gt3A_23 = arith.constant 0.000000e+00 : f32
    %gt3A_24 = vector.broadcast %gt3A_23 : f32 to vector<1000x1xf32>
    %gt3A_25 = arith.cmpf ogt, %add3A_20, %gt3A_24 : vector<1000x1xf32>
    %div3A = vector.broadcast %select_n3A : vector<1000x1xf32> to vector<1000x128xf32>
    %div3A_26 = arith.divf %add3A, %div3A : vector<1000x128xf32>
    %jit3A_27 = arith.constant 0.000000e+00 : f32
    %broadcast_in_dim3A_28 = vector.shape_cast %gt3A_25 : vector<1000x1xi1> to vector<1000x1xi1>
    %broadcast_in_dim3A_29 = vector.broadcast %broadcast_in_dim3A_28 : vector<1000x1xi1> to vector<1000x128xi1>
    %broadcast_in_dim3A_30 = vector.broadcast %jit3A_27 : f32 to vector<1000x128xf32>
    %select_n3A_31 = arith.select %broadcast_in_dim3A_29, %div3A_26, %broadcast_in_dim3A_30 : vector<1000x128xi1>, vector<1000x128xf32>
    %get3A_32 = arith.constant 0 : index
    %get3A_33 = arith.constant 0 : index
    %get3A_34 = vector.load %arg4[%get3A_32, %get3A_33] : memref<128x128xf32, #tpu.memory_space<vmem>>, vector<128x128xf32>
    %dot_general3A = arith.constant dense<0.000000e+00> : vector<1000x128xf32>
    %dot_general3A_35 = tpu.matmul %select_n3A_31, %get3A_34, %dot_general3A {dimension_numbers = #tpu.dot_dimension_numbers<[1], [0], [0], [1], [0, 0, 1, 1], [], []>, transpose_lhs_hint = false} : vector<1000x128xf32>, vector<128x128xf32>, vector<1000x128xf32> -> vector<1000x128xf32>
    %get3A_36 = arith.constant 0 : index
    %get3A_37 = arith.constant 0 : index
    %get3A_38 = vector.load %arg5[%get3A_36, %get3A_37] : memref<128x128xf32, #tpu.memory_space<vmem>>, vector<128x128xf32>
    %dot_general3A_39 = arith.constant dense<0.000000e+00> : vector<1000x128xf32>
    %dot_general3A_40 = tpu.matmul %dot_general3A_35, %get3A_38, %dot_general3A_39 {dimension_numbers = #tpu.dot_dimension_numbers<[1], [0], [0], [1], [0, 0, 1, 1], [], []>, transpose_lhs_hint = false} : vector<1000x128xf32>, vector<128x128xf32>, vector<1000x128xf32> -> vector<1000x128xf32>
    %get3A_41 = arith.constant 0 : index
    %get3A_42 = arith.constant 0 : index
    %get3A_43 = vector.load %arg6[%get3A_41, %get3A_42] : memref<1x128xf32, #tpu.memory_space<vmem>>, vector<1x128xf32>
    %add3A_44 = vector.broadcast %get3A_43 : vector<1x128xf32> to vector<1000x128xf32>
    %add3A_45 = arith.addf %dot_general3A_40, %add3A_44 : vector<1000x128xf32>
    %max3A = arith.constant 0.000000e+00 : f32
    %max3A_46 = vector.broadcast %max3A : f32 to vector<1000x128xf32>
    %max3A_47 = arith.maximumf %add3A_45, %max3A_46 : vector<1000x128xf32>
    %get3A_48 = arith.constant 0 : index
    %get3A_49 = arith.constant 0 : index
    %get3A_50 = vector.load %arg7[%get3A_48, %get3A_49] : memref<128x128xf32, #tpu.memory_space<vmem>>, vector<128x128xf32>
    %dot_general3A_51 = arith.constant dense<0.000000e+00> : vector<1000x128xf32>
    %dot_general3A_52 = tpu.matmul %max3A_47, %get3A_50, %dot_general3A_51 {dimension_numbers = #tpu.dot_dimension_numbers<[1], [0], [0], [1], [0, 0, 1, 1], [], []>, transpose_lhs_hint = false} : vector<1000x128xf32>, vector<128x128xf32>, vector<1000x128xf32> -> vector<1000x128xf32>
    %get3A_53 = arith.constant 0 : index
    %get3A_54 = arith.constant 0 : index
    %get3A_55 = vector.load %arg8[%get3A_53, %get3A_54] : memref<1x128xf32, #tpu.memory_space<vmem>>, vector<1x128xf32>
    %add3A_56 = vector.broadcast %get3A_55 : vector<1x128xf32> to vector<1000x128xf32>
    %add3A_57 = arith.addf %dot_general3A_52, %add3A_56 : vector<1000x128xf32>
    %get3A_58 = arith.constant 0 : index
    %get3A_59 = arith.constant 0 : index
    %get3A_60 = vector.load %arg9[%get3A_58, %get3A_59] : memref<128x128xf32, #tpu.memory_space<vmem>>, vector<128x128xf32>
    %dot_general3A_61 = arith.constant dense<0.000000e+00> : vector<1000x128xf32>
    %dot_general3A_62 = tpu.matmul %add3A_57, %get3A_60, %dot_general3A_61 {dimension_numbers = #tpu.dot_dimension_numbers<[1], [0], [0], [1], [0, 0, 1, 1], [], []>, transpose_lhs_hint = false} : vector<1000x128xf32>, vector<128x128xf32>, vector<1000x128xf32> -> vector<1000x128xf32>
    %get3A_63 = arith.constant 0 : index
    %get3A_64 = arith.constant 0 : index
    %get3A_65 = vector.load %arg10[%get3A_63, %get3A_64] : memref<1x128xf32, #tpu.memory_space<vmem>>, vector<1x128xf32>
    %add3A_66 = vector.broadcast %get3A_65 : vector<1x128xf32> to vector<1000x128xf32>
    %add3A_67 = arith.addf %dot_general3A_62, %add3A_66 : vector<1000x128xf32>
    %max3A_68 = arith.constant 0.000000e+00 : f32
    %max3A_69 = vector.broadcast %max3A_68 : f32 to vector<1000x128xf32>
    %max3A_70 = arith.maximumf %add3A_67, %max3A_69 : vector<1000x128xf32>
    %get3A_71 = arith.constant 0 : index
    %get3A_72 = arith.constant 0 : index
    %get3A_73 = vector.load %arg11[%get3A_71, %get3A_72] : memref<128x128xf32, #tpu.memory_space<vmem>>, vector<128x128xf32>
    %dot_general3A_74 = arith.constant dense<0.000000e+00> : vector<1000x128xf32>
    %dot_general3A_75 = tpu.matmul %max3A_70, %get3A_73, %dot_general3A_74 {dimension_numbers = #tpu.dot_dimension_numbers<[1], [0], [0], [1], [0, 0, 1, 1], [], []>, transpose_lhs_hint = false} : vector<1000x128xf32>, vector<128x128xf32>, vector<1000x128xf32> -> vector<1000x128xf32>
    %get3A_76 = arith.constant 0 : index
    %get3A_77 = arith.constant 0 : index
    %get3A_78 = vector.load %arg12[%get3A_76, %get3A_77] : memref<1x128xf32, #tpu.memory_space<vmem>>, vector<1x128xf32>
    %add3A_79 = vector.broadcast %get3A_78 : vector<1x128xf32> to vector<1000x128xf32>
    %add3A_80 = arith.addf %dot_general3A_75, %add3A_79 : vector<1000x128xf32>
    %get3A_81 = arith.constant 0 : index
    %get3A_82 = arith.constant 0 : index
    %get3A_83 = vector.load %arg13[%get3A_81, %get3A_82] : memref<128x128xf32, #tpu.memory_space<vmem>>, vector<128x128xf32>
    %dot_general3A_84 = arith.constant dense<0.000000e+00> : vector<1000x128xf32>
    %dot_general3A_85 = tpu.matmul %add3A_80, %get3A_83, %dot_general3A_84 {dimension_numbers = #tpu.dot_dimension_numbers<[1], [0], [0], [1], [0, 0, 1, 1], [], []>, transpose_lhs_hint = false} : vector<1000x128xf32>, vector<128x128xf32>, vector<1000x128xf32> -> vector<1000x128xf32>
    %get3A_86 = arith.constant 0 : index
    %get3A_87 = arith.constant 0 : index
    %get3A_88 = vector.load %arg14[%get3A_86, %get3A_87] : memref<1x128xf32, #tpu.memory_space<vmem>>, vector<1x128xf32>
    %add3A_89 = vector.broadcast %get3A_88 : vector<1x128xf32> to vector<1000x128xf32>
    %add3A_90 = arith.addf %dot_general3A_85, %add3A_89 : vector<1000x128xf32>
    %max3A_91 = arith.constant 0.000000e+00 : f32
    %max3A_92 = vector.broadcast %max3A_91 : f32 to vector<1000x128xf32>
    %max3A_93 = arith.maximumf %add3A_90, %max3A_92 : vector<1000x128xf32>
    %get3A_94 = arith.constant 0 : index
    %get3A_95 = arith.constant 0 : index
    %get3A_96 = vector.load %arg15[%get3A_94, %get3A_95] : memref<128x128xf32, #tpu.memory_space<vmem>>, vector<128x128xf32>
    %dot_general3A_97 = arith.constant dense<0.000000e+00> : vector<1000x128xf32>
    %dot_general3A_98 = tpu.matmul %max3A_93, %get3A_96, %dot_general3A_97 {dimension_numbers = #tpu.dot_dimension_numbers<[1], [0], [0], [1], [0, 0, 1, 1], [], []>, transpose_lhs_hint = false} : vector<1000x128xf32>, vector<128x128xf32>, vector<1000x128xf32> -> vector<1000x128xf32>
    %get3A_99 = arith.constant 0 : index
    %get3A_100 = arith.constant 0 : index
    %get3A_101 = vector.load %arg16[%get3A_99, %get3A_100] : memref<1x128xf32, #tpu.memory_space<vmem>>, vector<1x128xf32>
    %add3A_102 = vector.broadcast %get3A_101 : vector<1x128xf32> to vector<1000x128xf32>
    %add3A_103 = arith.addf %dot_general3A_98, %add3A_102 : vector<1000x128xf32>
    %get3A_104 = arith.constant 0 : index
    %get3A_105 = arith.constant 0 : index
    %get3A_106 = vector.load %arg17[%get3A_104, %get3A_105] : memref<1x128xf32, #tpu.memory_space<vmem>>, vector<1x128xf32>
    %add3A_107 = vector.broadcast %get3A_106 : vector<1x128xf32> to vector<1000x128xf32>
    %add3A_108 = arith.addf %add3A_103, %add3A_107 : vector<1000x128xf32>
    %get3A_109 = arith.constant 0 : index
    %get3A_110 = arith.constant 0 : index
    %get3A_111 = vector.load %arg3[%get3A_109, %get3A_110] : memref<1000x128xf32, #tpu.memory_space<vmem>>, vector<1000x128xf32>
    %get3A_112 = arith.constant 0 : index
    %get3A_113 = arith.constant 0 : index
    %get3A_114 = vector.load %arg18[%get3A_112, %get3A_113] : memref<128x128xf32, #tpu.memory_space<vmem>>, vector<128x128xf32>
    %dot_general3A_115 = arith.constant dense<0.000000e+00> : vector<1000x128xf32>
    %dot_general3A_116 = tpu.matmul %get3A_111, %get3A_114, %dot_general3A_115 {dimension_numbers = #tpu.dot_dimension_numbers<[1], [0], [0], [1], [0, 0, 1, 1], [], []>, transpose_lhs_hint = false} : vector<1000x128xf32>, vector<128x128xf32>, vector<1000x128xf32> -> vector<1000x128xf32>
    %add3A_117 = arith.addf %add3A_108, %dot_general3A_116 : vector<1000x128xf32>
    %mul3A = arith.mulf %add3A_117, %add3A_117 : vector<1000x128xf32>
    %reduce_sum3A = arith.constant dense<0.000000e+00> : vector<1000xf32>
    %reduce_sum3A_118 = vector.multi_reduction <add>, %mul3A, %reduce_sum3A [1] : vector<1000x128xf32> to vector<1000xf32>
    %broadcast_in_dim3A_119 = vector.shape_cast %reduce_sum3A_118 : vector<1000xf32> to vector<1000x1xf32>
    %div3A_120 = arith.constant 1.280000e+02 : f32
    %div3A_121 = vector.broadcast %div3A_120 : f32 to vector<1000x1xf32>
    %div3A_122 = arith.divf %broadcast_in_dim3A_119, %div3A_121 : vector<1000x1xf32>
    %add3A_123 = arith.constant 9.99999997E-7 : f32
    %add3A_124 = vector.broadcast %add3A_123 : f32 to vector<1000x1xf32>
    %add3A_125 = arith.addf %div3A_122, %add3A_124 : vector<1000x1xf32>
    %sqrt3A = math.sqrt %add3A_125 : vector<1000x1xf32>
    %div3A_126 = vector.broadcast %sqrt3A : vector<1000x1xf32> to vector<1000x128xf32>
    %div3A_127 = arith.divf %add3A_117, %div3A_126 : vector<1000x128xf32>
    %get3A_128 = arith.constant 0 : index
    %get3A_129 = arith.constant 0 : index
    %get3A_130 = vector.load %arg19[%get3A_128, %get3A_129] : memref<1x128xf32, #tpu.memory_space<vmem>>, vector<1x128xf32>
    %mul3A_131 = vector.broadcast %get3A_130 : vector<1x128xf32> to vector<1000x128xf32>
    %mul3A_132 = arith.mulf %div3A_127, %mul3A_131 : vector<1000x128xf32>
    %get3A_133 = arith.constant 0 : index
    %get3A_134 = arith.constant 0 : index
    %get3A_135 = vector.load %arg20[%get3A_133, %get3A_134] : memref<128x16xf32, #tpu.memory_space<vmem>>, vector<128x16xf32>
    %dot_general3A_136 = arith.constant dense<0.000000e+00> : vector<1000x16xf32>
    %dot_general3A_137 = tpu.matmul %mul3A_132, %get3A_135, %dot_general3A_136 {dimension_numbers = #tpu.dot_dimension_numbers<[1], [0], [0], [1], [0, 0, 1, 1], [], []>, transpose_lhs_hint = false} : vector<1000x128xf32>, vector<128x16xf32>, vector<1000x16xf32> -> vector<1000x16xf32>
    %swap3A = arith.constant 0 : index
    %swap3A_138 = arith.constant 0 : index
    %swap3A_139 = vector.load %arg21[%swap3A, %swap3A_138] : memref<1000x16xf32, #tpu.memory_space<vmem>>, vector<1000x16xf32>
    tpu.vector_store %arg21[%swap3A, %swap3A_138], %dot_general3A_137 {strides = array<i32>} : memref<1000x16xf32, #tpu.memory_space<vmem>>, vector<1000x16xf32>,
    return
  }
  func.func @transform_0(%arg0: i32) -> (i32, i32, i32) {
    %c0_i32 = arith.constant 0 : i32
    %c0_i32_0 = arith.constant 0 : i32
    %c0_i32_1 = arith.constant 0 : i32
    return %c0_i32, %arg0, %c0_i32_0 : i32, i32, i32
  }
  func.func @transform_1(%arg0: i32) -> (i32, i32, i32) {
    %c0_i32 = arith.constant 0 : i32
    %c0_i32_0 = arith.constant 0 : i32
    %c0_i32_1 = arith.constant 0 : i32
    return %c0_i32, %arg0, %c0_i32_0 : i32, i32, i32
  }
  func.func @transform_2(%arg0: i32) -> (i32, i32) {
    %c0_i32 = arith.constant 0 : i32
    %c0_i32_0 = arith.constant 0 : i32
    return %arg0, %c0_i32 : i32, i32
  }
  func.func @transform_3(%arg0: i32) -> (i32, i32) {
    %c0_i32 = arith.constant 0 : i32
    %c0_i32_0 = arith.constant 0 : i32
    %c0_i32_1 = arith.constant 0 : i32
    return %c0_i32, %c0_i32_0 : i32, i32
  }
  func.func @transform_4(%arg0: i32) -> (i32, i32) {
    %c0_i32 = arith.constant 0 : i32
    %c0_i32_0 = arith.constant 0 : i32
    %c0_i32_1 = arith.constant 0 : i32
    return %c0_i32, %c0_i32_0 : i32, i32
  }
  func.func @transform_5(%arg0: i32) -> (i32, i32) {
    %c0_i32 = arith.constant 0 : i32
    %c0_i32_0 = arith.constant 0 : i32
    %c0_i32_1 = arith.constant 0 : i32
    return %c0_i32, %c0_i32_0 : i32, i32
  }
  func.func @transform_6(%arg0: i32) -> (i32, i32) {
    %c0_i32 = arith.constant 0 : i32
    %c0_i32_0 = arith.constant 0 : i32
    %c0_i32_1 = arith.constant 0 : i32
    return %c0_i32, %c0_i32_0 : i32, i32
  }
  func.func @transform_7(%arg0: i32) -> (i32, i32) {
    %c0_i32 = arith.constant 0 : i32
    %c0_i32_0 = arith.constant 0 : i32
    %c0_i32_1 = arith.constant 0 : i32
    return %c0_i32, %c0_i32_0 : i32, i32
  }
  func.func @transform_8(%arg0: i32) -> (i32, i32) {
    %c0_i32 = arith.constant 0 : i32
    %c0_i32_0 = arith.constant 0 : i32
    %c0_i32_1 = arith.constant 0 : i32
    return %c0_i32, %c0_i32_0 : i32, i32
  }
  func.func @transform_9(%arg0: i32) -> (i32, i32) {
    %c0_i32 = arith.constant 0 : i32
    %c0_i32_0 = arith.constant 0 : i32
    %c0_i32_1 = arith.constant 0 : i32
    return %c0_i32, %c0_i32_0 : i32, i32
  }
  func.func @transform_10(%arg0: i32) -> (i32, i32) {
    %c0_i32 = arith.constant 0 : i32
    %c0_i32_0 = arith.constant 0 : i32
    %c0_i32_1 = arith.constant 0 : i32
    return %c0_i32, %c0_i32_0 : i32, i32
  }
  func.func @transform_11(%arg0: i32) -> (i32, i32) {
    %c0_i32 = arith.constant 0 : i32
    %c0_i32_0 = arith.constant 0 : i32
    %c0_i32_1 = arith.constant 0 : i32
    return %c0_i32, %c0_i32_0 : i32, i32
  }
  func.func @transform_12(%arg0: i32) -> (i32, i32) {
    %c0_i32 = arith.constant 0 : i32
    %c0_i32_0 = arith.constant 0 : i32
    %c0_i32_1 = arith.constant 0 : i32
    return %c0_i32, %c0_i32_0 : i32, i32
  }
  func.func @transform_13(%arg0: i32) -> (i32, i32) {
    %c0_i32 = arith.constant 0 : i32
    %c0_i32_0 = arith.constant 0 : i32
    %c0_i32_1 = arith.constant 0 : i32
    return %c0_i32, %c0_i32_0 : i32, i32
  }
  func.func @transform_14(%arg0: i32) -> (i32, i32) {
    %c0_i32 = arith.constant 0 : i32
    %c0_i32_0 = arith.constant 0 : i32
    %c0_i32_1 = arith.constant 0 : i32
    return %c0_i32, %c0_i32_0 : i32, i32
  }
  func.func @transform_15(%arg0: i32) -> (i32, i32) {
    %c0_i32 = arith.constant 0 : i32
    %c0_i32_0 = arith.constant 0 : i32
    %c0_i32_1 = arith.constant 0 : i32
    return %c0_i32, %c0_i32_0 : i32, i32
  }
  func.func @transform_16(%arg0: i32) -> (i32, i32) {
    %c0_i32 = arith.constant 0 : i32
    %c0_i32_0 = arith.constant 0 : i32
    %c0_i32_1 = arith.constant 0 : i32
    return %c0_i32, %c0_i32_0 : i32, i32
  }
  func.func @transform_17(%arg0: i32) -> (i32, i32) {
    %c0_i32 = arith.constant 0 : i32
    %c0_i32_0 = arith.constant 0 : i32
    %c0_i32_1 = arith.constant 0 : i32
    return %c0_i32, %c0_i32_0 : i32, i32
  }
  func.func @transform_18(%arg0: i32) -> (i32, i32) {
    %c0_i32 = arith.constant 0 : i32
    %c0_i32_0 = arith.constant 0 : i32
    %c0_i32_1 = arith.constant 0 : i32
    return %c0_i32, %c0_i32_0 : i32, i32
  }
  func.func @transform_19(%arg0: i32) -> (i32, i32) {
    %c0_i32 = arith.constant 0 : i32
    %c0_i32_0 = arith.constant 0 : i32
    %c0_i32_1 = arith.constant 0 : i32
    return %c0_i32, %c0_i32_0 : i32, i32
  }
  func.func @transform_20(%arg0: i32) -> (i32, i32) {
    %c0_i32 = arith.constant 0 : i32
    %c0_i32_0 = arith.constant 0 : i32
    return %arg0, %c0_i32 : i32, i32
  }
}

</mosaic_0001>

<sc_bundles>
// kernel: kernel.11.cloned.1.call-start
scs
__scs_entry_jumppad:
0x0: {  	(pc) =	sbr.rel $0x88, $3  }
0x1: {  	(tag) =	ssettag $0x0;
	lr =	simm.s32 $0x1  }
0x2: {  	[smem:$0x3F8D] =	sst lr;
	_ =	strace $0xD0000000  }
0x3: {  	_ = 	snop  }
0x4: {  	_ = 	snop  }
0x5: {  	_ = 	snop  }
0x6: {  	_ = 	snop  }
0x7: {  	_ = 	snop  }
__scs_overlays_trampoline_lowered:
0x8: {  	[smem:$0x3F9C] =	sst s0  }
0x9: {  	[smem:$0x3F9D] =	sst s1  }
0xa: {  	[smem:$0x3F9E] =	sst s2  }
0xb: {  	[smem:$0x3F9F] =	sst s3  }
0xc: {  	[smem:$0x3FA0] =	sst s4  }
0xd: {  	[smem:$0x3FA1] =	sst s5  }
0xe: {  	[smem:$0x3FA2] =	sst s6  }
0xf: {  	[smem:$0x3FA3] =	sst s7  }
0x10: {  	[smem:$0x3FA4] =	sst s8  }
0x11: {  	[smem:$0x3FA5] =	sst s9;
	s0 =	simm.s32 @!p0 $0x0  }
0x12: {  	s1 =	sld [smem:$0x3F8B];
	s0 =	simm.s32 @p0 $0x1  }
0x13: {  	[smem:$0x3FA6] =	sst s0;
	s0 =	simm.s32 @!p1 $0x0  }
0x14: {  	s2 =	sld [smem:$0x3F8A];
	s0 =	simm.s32 @p1 $0x1  }
0x15: {  	[smem:$0x3FA7] =	sst s0;
	s0 =	simm.s32 @!p2 $0x0  }
0x16: {  	s3 =	sld [smem:$0x3FDB];
	s0 =	simm.s32 @p2 $0x1  }
0x17: {  	s4 =	simm.s32 $0x1BF5;
	[smem:$0x3FA9] =	sst s0  }
0x18: {  	s0 =	sld [smem:$0x3F8C];
	_ =	swait.ge [sflag:s4], $0x0  }
0x19: {  	s7 =	sld [smem:$0x3F8D]  }
0x1a: {  	s8 =	sadd.s32 $0xFFFFE003, lr  }
0x1b: {  	s9 =	sadd.s32 $0xFFFFFEF7, lr;
	s5 =	simm.s32 $0xFFFFFFFF;
	p2 =	slt.u32 s8, $0xFFFFF086  }
0x1c: {  	p1 =	slt.u32 s9, $0xF7A;
	s5 =	simm.s32 @!p2 $0x0  }
0x1d: {  	s5 =	simm.s32 @p1 $0x1;
	p0 =	seq.s32 s7, s2  }
0x1e: {  	s7 =	smul.u32 @!p0 $0xF7A, s2;
	p2 =	seq.s32 @!p0 s5, $0x0  }
0x1f: {  	s9 =	smul.u32 $0xF7A, s1;
	s8 =	simm.s32 @!p0 $0x1BF5;
	p2 =	por !p2, p0  }
0x20: {  	[sflag:s8] =	ssyncset.s32 @!p0 $0xFFFFF086;
	s6 =	sadd.s32 @!p0 s3, s7;
	s7 =	simm.s32 @!p0 $0x108  }
0x21: {  	s3 =	sadd.s32 s3, s9;
	s6 =	sadd.s32 @!p0 $0x88, s6;
	s7 =	simm.s32 @p2 $0x1082  }
0x22: {  	[simem:s7], [sflag:s8] =	dma.local @!p0 [hbm:s6], $0xF7A  }
0x23: {  	s9 =	sor.u32 $0xD0000000, s2;
	s6 =	simm.s32 $0x108;
	_ =	swait.ge @!p0 [sflag:s8], $0x0  }
0x24: {  	s3 =	sadd.s32 $0x88, s3;
	s6 =	simm.s32 @!p1 $0x1082;
	[sflag:s4] =	ssyncset.s32 $0xFFFFF086  }
0x25: {  	[simem:s6], [sflag:s4] =	dma.local [hbm:s3], $0xF7A  }
0x26: {  	[smem:$0x3F8D] =	sst s1;
	(tag) =	ssettag s2;
	_ =	strace s9  }
0x27: {  	s1 =	sld [smem:$0x3F9D]  }
0x28: {  	s2 =	sld [smem:$0x3F9E]  }
0x29: {  	s4 =	sld [smem:$0x3FA0]  }
0x2a: {  	p0 =	seq.s32 s5, $0x0;
	s5 =	sld [smem:$0x3FA1]  }
0x2b: {  	s6 =	sld [smem:$0x3FA2]  }
0x2c: {  	s7 =	sld [smem:$0x3FA3]  }
0x2d: {  	s3 =	simm.s32 $0x108;
	s8 =	sld [smem:$0x3FA4]  }
0x2e: {  	s3 =	simm.s32 @!p0 $0x1082;
	s9 =	sld [smem:$0x3FA5]  }
0x2f: {  	lr =	sadd.s32 s0, s3;
	s0 =	sld [smem:$0x3F9C]  }
0x30: {  	s3 =	sld [smem:$0x3F9F]  }
0x31: {  	[smem:$0x3FA8] =	sst s10  }
0x32: {  	s10 =	sld [smem:$0x3FA6];
	_ =	sdelay $0x3  }
0x33: {  	p0 =	seq.s32 s10, $0x1;
	s10 =	sld [smem:$0x3FA8];
	_ =	sdelay $0x3  }
0x34: {  	[smem:$0x3FA8] =	sst s10  }
0x35: {  	s10 =	sld [smem:$0x3FA7];
	_ =	sdelay $0x3  }
0x36: {  	p1 =	seq.s32 s10, $0x1;
	s10 =	sld [smem:$0x3FA8];
	_ =	sdelay $0x3  }
0x37: {  	[smem:$0x3FA8] =	sst s10  }
0x38: {  	s10 =	sld [smem:$0x3FA9]  }
0x39: {  	_ = 	snop;
	(pc) =	sbr.ind lr, $3  }
0x3a: {  	_ = 	snop  }
0x3b: {  	_ = 	snop  }
0x3c: {  	p2 =	seq.s32 s10, $0x1;
	s10 =	sld [smem:$0x3FA8]  }
0x3d: {  	_ =	shalt  }
0x3e: {  	_ =	shalt  }
0x3f: {  	_ =	shalt  }
0x40: {  	_ =	shalt  }
0x41: {  	_ =	shalt  }
0x42: {  	_ =	shalt  }
0x43: {  	_ =	shalt  }
0x44: {  	_ =	shalt  }
0x45: {  	_ =	shalt  }
0x46: {  	_ =	shalt  }
0x47: {  	_ =	shalt  }
0x48: {  	_ =	shalt  }
0x49: {  	_ =	shalt  }
0x4a: {  	_ =	shalt  }
0x4b: {  	_ =	shalt  }
0x4c: {  	_ =	shalt  }
0x4d: {  	_ =	shalt  }
0x4e: {  	_ =	shalt  }
0x4f: {  	_ =	shalt  }
0x50: {  	_ =	shalt  }
0x51: {  	_ =	shalt  }
0x52: {  	_ =	shalt  }
0x53: {  	_ =	shalt  }
0x54: {  	_ =	shalt  }
0x55: {  	_ =	shalt  }
0x56: {  	_ =	shalt  }
0x57: {  	_ =	shalt  }
0x58: {  	_ =	shalt  }
0x59: {  	_ =	shalt  }
0x5a: {  	_ =	shalt  }
0x5b: {  	_ =	shalt  }
0x5c: {  	_ =	shalt  }
0x5d: {  	_ =	shalt  }
0x5e: {  	_ =	shalt  }
0x5f: {  	_ =	shalt  }
0x60: {  	_ =	shalt  }
0x61: {  	_ =	shalt  }
0x62: {  	_ =	shalt  }
0x63: {  	_ =	shalt  }
0x64: {  	_ =	shalt  }
0x65: {  	_ =	shalt  }
0x66: {  	_ =	shalt  }
0x67: {  	_ =	shalt  }
0x68: {  	_ =	shalt  }
0x69: {  	_ =	shalt  }
0x6a: {  	_ =	shalt  }
0x6b: {  	_ =	shalt  }
0x6c: {  	_ =	shalt  }
0x6d: {  	_ =	shalt  }
0x6e: {  	_ =	shalt  }
0x6f: {  	_ =	shalt  }
0x70: {  	_ =	shalt  }
0x71: {  	_ =	shalt  }
0x72: {  	_ =	shalt  }
0x73: {  	_ =	shalt  }
0x74: {  	_ =	shalt  }
0x75: {  	_ =	shalt  }
0x76: {  	_ =	shalt  }
0x77: {  	_ =	shalt  }
0x78: {  	_ =	shalt  }
0x79: {  	_ =	shalt  }
0x7a: {  	_ =	shalt  }
0x7b: {  	_ =	shalt  }
0x7c: {  	_ =	shalt  }
0x7d: {  	_ =	shalt  }
0x7e: {  	_ =	shalt  }
0x7f: {  	_ =	shalt  }
0x80: {  	_ =	shalt  }
0x81: {  	_ =	shalt  }
0x82: {  	_ =	shalt  }
0x83: {  	_ =	shalt  }
0x84: {  	_ =	shalt  }
0x85: {  	_ =	shalt  }
0x86: {  	_ =	shalt  }
0x87: {  	_ =	shalt  }
.Lfunc_end0:
.L_simem_size_0:
called_computation.1_lowered:
.L_overlay_start_0:
0x88: {  	s2 =	sld [smem:$0x3FD9]  }
0x89: {  	s3 =	sld [smem:$0x3FFE];
	_ =	sdelay $0x1  }
0x8a: {  	s1 =	srdreg.scid  }
0x8b: {  	s0 =	sand.u32 $0x1, s1  }
0x8c: {  	s17 =	sshll.u32 s0, $0xA;
	s2 =	sadd.s32 s3, s2  }
0x8d: {  	s2 =	sadd.s32 s2, s17  }
0x8e: {  	[smem:$0x3FB4] =	sst s2  }
0x8f: {  	_ = 	snop  }
0x90: {  	s2 =	sld [smem:$0x3FD0];
	(tm) =	ssettm $0x1  }
0x91: {  	s18 =	sld [smem:$0x3FFB];
	_ =	sdelay $0x3  }
0x92: {  	_ =	strace s18  }
0x93: {  	s3 =	sld [smem:$0x3FFC];
	_ =	sdelay $0x3  }
0x94: {  	_ =	strace s3  }
0x95: {  	s3 =	sld [smem:$0x3FFD];
	_ =	sdelay $0x3  }
0x96: {  	_ =	strace s3  }
0x97: {  	_ =	strace $0x8FFFFFFF  }
0x98: {  	s19 =	sld [smem:$0x3FDB];
	_ =	sdelay $0x1  }
0x99: {  	s4 =	simm.s32 $_scs_section_size  }
0x9a: {  	s5 =	simm.s32 $_size__tile_overlayer_lowered;
	s6 =	simm.s32 $_tile_overlayer_lowered  }
0x9b: {  	s22 =	simm.s32 $0x1BFF;
	s21 =	sshll.u32 s6, $0x1;
	s3 =	sadd.s32 s4, s19  }
0x9c: {  	s7 =	simm.s32 $0x0;
	s20 =	sshll.u32 s5, $0x1;
	s5 =	sadd.s32 s21, s3  }
0x9d: {  	[timem:s7], [sflag:s22] =	dma.local [hbm:s5], s20  }
0x9e: {  	_ =	swait.ge [sflag:s22], s20  }
0x9f: {  	s4 =	ssub.s32 $0x0, s20;
	[sflag:s22] =	ssyncset.done $0x0  }
0xa0: {  	[sflag:s22] =	ssyncadd.s32 s4;
	_ =	sdelay $0x1  }
0xa1: {  	s23 =	simm.s32 $0x1B8B  }
0xa2: {  	_ =	swait.ge [sflag:s23], $0x1  }
0xa3: {  	[sflag:s23] =	ssyncset.done $0x0  }
0xa4: {  	s25 =	simm.s32 $0x1B8E;
	s24 =	sld [smem:$0x3FFE];
	[sflag:s23] =	ssyncadd.s32 $0xFFFFFFFF  }
0xa5: {  	s26 =	simm.s32 $execute0_lowered;
	[smem:$0x3FD2] =	sst s25  }
0xa6: {  	s5 =	sshll.u32 s26, $0x1;
	_ =	strace $0x80000049;
	[dreg:$0x1] =	wrdreg $0xFFFFFFFF  }
0xa7: {  	s28 =	simm.s32 $_size_execute0_lowered;
	s3 =	sadd.s32 s3, s5;
	[dreg:$0x0] =	wrdreg $0x0  }
0xa8: {  	s5 =	sshll.u32 s28, $0x1;
	[dreg:$0x2] =	wrdreg s3  }
0xa9: {  	[dreg:$0x3] =	wrdreg s5  }
0xaa: {  	[dreg:$0x4] =	wrdreg $0xC0  }
0xab: {  	_ =	task [dreg:s7], $0x5FFFF  }
0xac: {  	[dreg:$0x1] =	wrdreg $0xFFFFFFFF  }
0xad: {  	[dreg:$0x0] =	wrdreg $0x60  }
0xae: {  	[dreg:$0x2] =	wrdreg s24  }
0xaf: {  	[dreg:$0x3] =	wrdreg s2  }
0xb0: {  	[dreg:$0x4] =	wrdreg $0x8FC00  }
0xb1: {  	[dreg:$0x5] =	wrdreg $0x1CFC00  }
0xb2: {  	[dreg:$0x6] =	wrdreg $0x9  }
0xb3: {  	_ =	task.clear_ibuf [dreg:s7], $0x7FFFF;
	_ =	strace $0x90000049  }
0xb4: {  	s29 =	simm.s32 $0x9;
	_ =	strace $0x8000004B  }
0xb5: {  	_ =	swait.ge [sflag:s29], $0x1  }
0xb6: {  	[sflag:s29] =	ssyncadd.s32 $0xFFFFFFFF  }
0xb7: {  	_ =	strace $0x9000004B  }
0xb8: {  	_ =	sfence  }
0xb9: {  	s30 =	sld [smem:$0x0];
	_ =	sdelay $0x2  }
0xba: {  	s31 =	sshll.u32 s1, $0xD;
	s1 =	sshrl.u32 s1, $0x2  }
0xbb: {  	s3 =	sand.u32 $0x4000, s31;
	s1 =	sadd.s32 s1, s30  }
0xbc: {  	s0 =	sor.u32 s3, s0;
	s1 =	sshll.u32 s1, $0x11  }
0xbd: {  	s0 =	sor.u32 s1, s0  }
0xbe: {  	s0 =	sadd.s32 $0x8F2B, s0  }
0xbf: {  	[sflag:s0] =	ssyncadd.remote.s32 $0x1  }
0xc0: {  	_ =	sfence.sel $0xFFFF  }
0xc1: {  	[dreg:$0x0] =	wrdreg $0xFFFFFFFF;
	(pc) =	sbr.abs _section_cstart, $3  }
0xc2: {  	[dreg:$0x1] =	wrdreg $0xFFFFFFFF  }
0xc3: {  	_ =	task.clear_ibuf [dreg:s7], $0x2FFFF;
	_ =	strace $0x9FFFFFFF  }
0xc4: {  	(tm) =	ssettm $0x7FFFFFFF  }
0xc5: {  	_ =	shalt  }
tec
execute0_lowered:
.L_overlay_start_1:
0x0: {  	(tag) =	ssettag $0x1  }
0x1: {  	s1 =	rddreg [dreg:$0x0]  }
0x2: {  	s0 =	srdreg.scid;
	s3 =	rddreg [dreg:$0x2]  }
0x3: {  	s13 =	stileid.u32;
	s4 =	rddreg [dreg:$0x3]  }
0x4: {  	s5 =	simm.s32 $0x0;
	s16 =	simm.s32 $0x5;
	s19 =	simm.s32 $0x32  }
0x5: {  	s20 =	simm.s32 $0x5780;
	s21 =	simm.s32 $0x8980;
	s22 =	simm.s32 $0x7080  }
0x6: {  	s28 =	simm.s32 $0x4;
	s29 =	simm.s32 $0x2B88;
	s30 =	simm.s32 $0x5710  }
0x7: {  	s31 =	simm.s32 $0x5748;
	s0 =	sand.u32 $0x1, s0;
	s8 =	smul.u32 $0x14000, s13  }
0x8: {  	[smem:$0x7FF] =	sst s5;
	s10 =	smul.u32 $0x2800, s13;
	s6 =	sadd.s32 $0x24200, s1  }
0x9: {  	s7 =	sadd.s32 $0xF200, s1;
	s12 =	sadd.s32 $0xEC00, s1;
	s25 =	sshll.u32 s13, $0x6  }
0xa: {  	s2 =	sshll.u32 s0, $0x4;
	s9 =	smul.u32 $0x140000, s0;
	_ =	strace $0x8000004A  }
0xb: {  	s11 =	smul.u32 $0x28000, s0;
	[dreg:$0x5] =	wrdreg s12;
	s0 =	ssub.s32 $0x2, s0  }
0xc: {  	s2 =	sor.u32 s13, s2;
	s24 =	sshrl.u32 s0, $0x1;
	s17 =	sadd.s32 s10, s4  }
0xd: {  	s2 =	smul.u32 $0x578, s2;
	s9 =	sadd.s32 s8, s9;
	s11 =	sadd.s32 s10, s11  }
0xe: {  	s0 =	ssub.s32 s0, s24;
	s8 =	sadd.s32 s8, s3;
	s17 =	sshrl.u32 s17, $0x3  }
0xf: {  	s24 =	simm.s32 $0x1;
	s9 =	sshrl.u32 s9, $0x3;
	s11 =	sshrl.u32 s11, $0x3  }
0x10: {  	s14 =	smax.u32 s0, $0x1;
	s15 =	sshrl.u32 s8, $0x3;
	s2 =	sadd.s32 s2, s1  }
0x11: {  	s23 =	sadd.s32 s9, s1;
	s1 =	sadd.s32 s11, s1;
	s9 =	sor.u32 $0x1C05, s25  }
0x12: {  	s25 =	simm.s32 $0x3;
	s26 =	sadd.s32 $0x19200, s2;
	s11 =	sadd.s32 $0x3C00, s2  }
0x13: {  	s12 =	sadd.s32 $0x55400, s23;
	s13 =	sadd.s32 $0x4B400, s1;
	s23 =	simm.s32 $0x8CA0  }
0x14: {  	s1 =	simm.s32 $0x0;
	[dreg:$0x6] =	wrdreg s26;
	s26 =	simm.s32 $0x2  }
.LBB2_1:
0x15: {  	s0 =	rddreg [dreg:$0x1]  }
0x16: {  	[spmem:s15], [sflag:s9] =	dma.local [hbm:s0], $0x2800  }
0x17: {  	_ =	swait.ge [sflag:s16], $0x2800  }
0x18: {  	[sflag:s16] =	ssyncset.done $0x0  }
0x19: {  	s8 =	rddreg [dreg:$0x5];
	[sflag:s16] =	ssyncadd.s32 $0xFFFFD800  }
0x1a: {  	[spmem:s17], [sflag:s9] =	dma.local [hbm:s8], $0x500  }
0x1b: {  	_ =	swait.ge [sflag:s16], $0x500  }
0x1c: {  	[sflag:s16] =	ssyncset.done $0x0  }
0x1d: {  	s10 =	rddreg [dreg:$0x6];
	[sflag:s16] =	ssyncadd.s32 $0xFFFFFB00  }
0x1e: {  	[tilespmem:s5], [sflag:$0x5] =	stream.linear.gather [hbm4b:s10+s5], $0x2BC0, $0x38;
	[tilespmem:$0x1F7C0] =	vst v63  }
0x1f: {  	_ =	swait.ge [sflag:s16], $0x2BC0  }
0x20: {  	[sflag:s16] =	ssyncset.done $0x0  }
0x21: {  	s18 =	simm.s32 $0x2BC0;
	[sflag:s16] =	ssyncadd.s32 $0xFFFFD440  }
0x22: {  	[tilespmem:s18], [sflag:$0x5] =	stream.linear.gather [hbm4b:s11+s5], $0x2BC0, $0x38;
	[tilespmem:$0x1F7C0] =	vst v63  }
0x23: {  	_ =	swait.ge [sflag:s16], $0x2BC0  }
0x24: {  	[sflag:s16] =	ssyncset.done $0x0  }
0x25: {  	[sflag:s16] =	ssyncadd.s32 $0xFFFFD440  }
0x26: {  	[bflag:$0x0] =	sbarrier.arrive $0xFFFF  }
0x27: {  	[tilespmem:s20], [sflag:$0x1] =	stream.indirect.gather [hbm4b:s6+s19], $0x80, s5, s19, $0xb8;
	[tilespmem:$0x1F7C0] =	vst v63  }
0x28: {  	_ = 	snop  }
0x29: {  	[tilespmem:s21], [sflag:$0x3] =	stream.indirect.gather [hbm4b:s7+s19], $0x10, s5, s19, $0xb8;
	[tilespmem:$0x1F7C0] =	vst v63  }
0x2a: {  	s2 =	simm.s32 $0x38  }
0x2b: {  	[tilespmem:s22], [sflag:$0x2] =	stream.indirect.gather [hbm4b:s6+s19], $0x80, s2, s19, $0xb8;
	[tilespmem:$0x1F7C0] =	vst v63  }
0x2c: {  	_ = 	snop  }
0x2d: {  	[tilespmem:s23], [sflag:$0x4] =	stream.indirect.gather [hbm4b:s7+s19], $0x10, s2, s19, $0xb8;
	[tilespmem:$0x1F7C0] =	vst v63  }
0x2e: {  	_ =	swait.ge [sflag:s24], $0x1900  }
0x2f: {  	[sflag:s24] =	ssyncset.done $0x0  }
0x30: {  	[sflag:s24] =	ssyncadd.s32 $0xFFFFE700  }
0x31: {  	_ =	swait.ge [sflag:s25], $0x320  }
0x32: {  	[sflag:s25] =	ssyncset.done $0x0  }
0x33: {  	s8 =	simm.s32 $0x2BC0;
	[sflag:s25] =	ssyncadd.s32 $0xFFFFFCE0  }
0x34: {  	[spmem:s3] =	stream.indirect.scatter.add.f32 [tilespmem:s20], [sflag:$0x5], $0x80, s8, s19, $0xb8;
	[tilespmem:$0x1F7C0] =	vst v63  }
0x35: {  	_ =	swait.ge [sflag:s16], $0x1900  }
0x36: {  	[sflag:s16] =	ssyncset.done $0x0  }
0x37: {  	[sflag:s16] =	ssyncadd.s32 $0xFFFFE700  }
0x38: {  	[spmem:s4] =	stream.indirect.scatter.add.f32 [tilespmem:s21], [sflag:$0x5], $0x10, s8, s19, $0xb8;
	[tilespmem:$0x1F7C0] =	vst v63  }
0x39: {  	_ =	swait.ge [sflag:s16], $0x320  }
0x3a: {  	[sflag:s16] =	ssyncset.done $0x0  }
0x3b: {  	s10 =	simm.s32 $0x70;
	[sflag:s16] =	ssyncadd.s32 $0xFFFFFCE0  }
0x3c: {  	[tilespmem:s20], [sflag:$0x1] =	stream.indirect.gather [hbm4b:s6+s19], $0x80, s10, s19, $0xb8;
	[tilespmem:$0x1F7C0] =	vst v63  }
0x3d: {  	_ = 	snop  }
0x3e: {  	[tilespmem:s21], [sflag:$0x3] =	stream.indirect.gather [hbm4b:s7+s19], $0x10, s10, s19, $0xb8;
	[tilespmem:$0x1F7C0] =	vst v63  }
0x3f: {  	_ =	swait.ge [sflag:s26], $0x1900  }
0x40: {  	[sflag:s26] =	ssyncset.done $0x0  }
0x41: {  	[sflag:s26] =	ssyncadd.s32 $0xFFFFE700  }
0x42: {  	_ =	swait.ge [sflag:s28], $0x320  }
0x43: {  	[sflag:s28] =	ssyncset.done $0x0  }
0x44: {  	s18 =	simm.s32 $0x2BF8;
	[sflag:s28] =	ssyncadd.s32 $0xFFFFFCE0  }
0x45: {  	[spmem:s3] =	stream.indirect.scatter.add.f32 [tilespmem:s22], [sflag:$0x5], $0x80, s18, s19, $0xb8;
	[tilespmem:$0x1F7C0] =	vst v63  }
0x46: {  	_ =	swait.ge [sflag:s16], $0x1900  }
0x47: {  	[sflag:s16] =	ssyncset.done $0x0  }
0x48: {  	[sflag:s16] =	ssyncadd.s32 $0xFFFFE700  }
0x49: {  	[spmem:s4] =	stream.indirect.scatter.add.f32 [tilespmem:s23], [sflag:$0x5], $0x10, s18, s19, $0xb8;
	[tilespmem:$0x1F7C0] =	vst v63  }
0x4a: {  	_ =	swait.ge [sflag:s16], $0x320  }
0x4b: {  	s0 =	simm.s32 $0x70;
	s2 =	simm.s32 $0x380;
	[sflag:s16] =	ssyncset.done $0x0  }
.LBB2_2:
0x4c: {  	s10 =	sadd.s32 $0x38, s0  }
0x4d: {  	[sflag:s16] =	ssyncadd.s32 $0xFFFFFCE0;
	s18 =	smov.u32 s2;
	s8 =	sadd.s32 $0x1C0, s2  }
0x4e: {  	[tilespmem:s22], [sflag:$0x2] =	stream.indirect.gather [hbm4b:s6+s19], $0x80, s10, s19, $0xb8;
	[tilespmem:$0x1F7C0] =	vst v63  }
0x4f: {  	p0 =	sne.s32 s2, $0xAB80  }
0x50: {  	[tilespmem:s23], [sflag:$0x4] =	stream.indirect.gather [hbm4b:s7+s19], $0x10, s10, s19, $0xb8;
	[tilespmem:$0x1F7C0] =	vst v63  }
0x51: {  	_ =	swait.ge [sflag:s24], $0x1900  }
0x52: {  	[sflag:s24] =	ssyncset.done $0x0  }
0x53: {  	[sflag:s24] =	ssyncadd.s32 $0xFFFFE700  }
0x54: {  	_ =	swait.ge [sflag:s25], $0x320  }
0x55: {  	[sflag:s25] =	ssyncset.done $0x0  }
0x56: {  	s2 =	sadd.s32 $0x2BC0, s0;
	[sflag:s25] =	ssyncadd.s32 $0xFFFFFCE0  }
0x57: {  	[spmem:s3] =	stream.indirect.scatter.add.f32 [tilespmem:s20], [sflag:$0x5], $0x80, s2, s19, $0xb8;
	[tilespmem:$0x1F7C0] =	vst v63  }
0x58: {  	_ =	swait.ge [sflag:s16], $0x1900  }
0x59: {  	[sflag:s16] =	ssyncset.done $0x0  }
0x5a: {  	[sflag:s16] =	ssyncadd.s32 $0xFFFFE700  }
0x5b: {  	[spmem:s4] =	stream.indirect.scatter.add.f32 [tilespmem:s21], [sflag:$0x5], $0x10, s2, s19, $0xb8;
	[tilespmem:$0x1F7C0] =	vst v63  }
0x5c: {  	_ =	swait.ge [sflag:s16], $0x320  }
0x5d: {  	[sflag:s16] =	ssyncset.done $0x0  }
0x5e: {  	s2 =	sadd.s32 $0x70, s0;
	[sflag:s16] =	ssyncadd.s32 $0xFFFFFCE0  }
0x5f: {  	[tilespmem:s20], [sflag:$0x1] =	stream.indirect.gather [hbm4b:s6+s19], $0x80, s2, s19, $0xb8;
	[tilespmem:$0x1F7C0] =	vst v63  }
0x60: {  	_ = 	snop  }
0x61: {  	[tilespmem:s21], [sflag:$0x3] =	stream.indirect.gather [hbm4b:s7+s19], $0x10, s2, s19, $0xb8;
	[tilespmem:$0x1F7C0] =	vst v63  }
0x62: {  	_ =	swait.ge [sflag:s26], $0x1900  }
0x63: {  	[sflag:s26] =	ssyncset.done $0x0  }
0x64: {  	[sflag:s26] =	ssyncadd.s32 $0xFFFFE700  }
0x65: {  	_ =	swait.ge [sflag:s28], $0x320  }
0x66: {  	[sflag:s28] =	ssyncset.done $0x0  }
0x67: {  	s0 =	sadd.s32 $0x2BF8, s0;
	[sflag:s28] =	ssyncadd.s32 $0xFFFFFCE0  }
0x68: {  	[spmem:s3] =	stream.indirect.scatter.add.f32 [tilespmem:s22], [sflag:$0x5], $0x80, s0, s19, $0xb8;
	[tilespmem:$0x1F7C0] =	vst v63  }
0x69: {  	_ =	swait.ge [sflag:s16], $0x1900  }
.Ltmp0:
0x6a: {  	[sflag:s16] =	ssyncset.done $0x0;
	(pc) =	sbr.rel @p0 .LBB2_2-.Ltmp0, $4  }
0x6b: {  	[sflag:s16] =	ssyncadd.s32 $0xFFFFE700  }
0x6c: {  	[spmem:s4] =	stream.indirect.scatter.add.f32 [tilespmem:s23], [sflag:$0x5], $0x10, s0, s19, $0xb8;
	[tilespmem:$0x1F7C0] =	vst v63  }
0x6d: {  	_ =	swait.ge [sflag:s16], $0x320  }
0x6e: {  	s2 =	smov.u32 s8;
	s0 =	sshra.s32 s18, $0x2;
	[sflag:s16] =	ssyncset.done $0x0  }
0x6f: {  	s2 =	sadd.s32 $0x38, s0;
	[sflag:s16] =	ssyncadd.s32 $0xFFFFFCE0  }
0x70: {  	[tilespmem:s22], [sflag:$0x2] =	stream.indirect.gather [hbm4b:s6+s19], $0x80, s2, s19, $0xb8;
	[tilespmem:$0x1F7C0] =	vst v63  }
0x71: {  	_ = 	snop  }
0x72: {  	[tilespmem:s23], [sflag:$0x4] =	stream.indirect.gather [hbm4b:s7+s19], $0x10, s2, s19, $0xb8;
	[tilespmem:$0x1F7C0] =	vst v63  }
0x73: {  	_ =	swait.ge [sflag:s24], $0x1900  }
0x74: {  	[sflag:s24] =	ssyncset.done $0x0  }
0x75: {  	[sflag:s24] =	ssyncadd.s32 $0xFFFFE700  }
0x76: {  	_ =	swait.ge [sflag:s25], $0x320  }
0x77: {  	[sflag:s25] =	ssyncset.done $0x0  }
0x78: {  	s8 =	sadd.s32 $0x2BC0, s0;
	[sflag:s25] =	ssyncadd.s32 $0xFFFFFCE0  }
0x79: {  	[spmem:s3] =	stream.indirect.scatter.add.f32 [tilespmem:s20], [sflag:$0x5], $0x80, s8, s19, $0xb8;
	[tilespmem:$0x1F7C0] =	vst v63  }
0x7a: {  	_ =	swait.ge [sflag:s16], $0x1900  }
0x7b: {  	[sflag:s16] =	ssyncset.done $0x0  }
0x7c: {  	[sflag:s16] =	ssyncadd.s32 $0xFFFFE700  }
0x7d: {  	[spmem:s4] =	stream.indirect.scatter.add.f32 [tilespmem:s21], [sflag:$0x5], $0x10, s8, s19, $0xb8;
	[tilespmem:$0x1F7C0] =	vst v63  }
0x7e: {  	_ =	swait.ge [sflag:s16], $0x320  }
0x7f: {  	[sflag:s16] =	ssyncset.done $0x0  }
0x80: {  	s10 =	sadd.s32 $0x70, s0;
	[sflag:s16] =	ssyncadd.s32 $0xFFFFFCE0  }
0x81: {  	[tilespmem:s20], [sflag:$0x1] =	stream.indirect.gather [hbm4b:s6+s19], $0x80, s10, s19, $0xb8;
	[tilespmem:$0x1F7C0] =	vst v63  }
0x82: {  	_ = 	snop  }
0x83: {  	[tilespmem:s21], [sflag:$0x3] =	stream.indirect.gather [hbm4b:s7+s19], $0x10, s10, s19, $0xb8;
	[tilespmem:$0x1F7C0] =	vst v63  }
0x84: {  	_ =	swait.ge [sflag:s26], $0x1900  }
0x85: {  	[sflag:s26] =	ssyncset.done $0x0  }
0x86: {  	[sflag:s26] =	ssyncadd.s32 $0xFFFFE700  }
0x87: {  	_ =	swait.ge [sflag:s28], $0x320  }
0x88: {  	[sflag:s28] =	ssyncset.done $0x0  }
0x89: {  	s18 =	sadd.s32 $0x2BF8, s0;
	[sflag:s28] =	ssyncadd.s32 $0xFFFFFCE0  }
0x8a: {  	[spmem:s3] =	stream.indirect.scatter.add.f32 [tilespmem:s22], [sflag:$0x5], $0x80, s18, s19, $0xb8;
	[tilespmem:$0x1F7C0] =	vst v63  }
0x8b: {  	_ =	swait.ge [sflag:s16], $0x1900  }
0x8c: {  	[sflag:s16] =	ssyncset.done $0x0  }
0x8d: {  	[sflag:s16] =	ssyncadd.s32 $0xFFFFE700  }
0x8e: {  	[spmem:s4] =	stream.indirect.scatter.add.f32 [tilespmem:s23], [sflag:$0x5], $0x10, s18, s19, $0xb8;
	[tilespmem:$0x1F7C0] =	vst v63  }
0x8f: {  	_ =	swait.ge [sflag:s16], $0x320  }
0x90: {  	[sflag:s16] =	ssyncset.done $0x0  }
0x91: {  	[sflag:s16] =	ssyncadd.s32 $0xFFFFFCE0  }
0x92: {  	[tilespmem:s22], [sflag:$0x2] =	stream.indirect.gather [hbm4b:s6+s19], $0x80, s29, s19, $0xb8;
	[tilespmem:$0x1F7C0] =	vst v63  }
0x93: {  	_ = 	snop  }
0x94: {  	[tilespmem:s23], [sflag:$0x4] =	stream.indirect.gather [hbm4b:s7+s19], $0x10, s29, s19, $0xb8;
	[tilespmem:$0x1F7C0] =	vst v63  }
0x95: {  	_ =	swait.ge [sflag:s24], $0x1900  }
0x96: {  	[sflag:s24] =	ssyncset.done $0x0  }
0x97: {  	[sflag:s24] =	ssyncadd.s32 $0xFFFFE700  }
0x98: {  	_ =	swait.ge [sflag:s25], $0x320  }
0x99: {  	[sflag:s25] =	ssyncset.done $0x0  }
0x9a: {  	[sflag:s25] =	ssyncadd.s32 $0xFFFFFCE0  }
0x9b: {  	[spmem:s3] =	stream.indirect.scatter.add.f32 [tilespmem:s20], [sflag:$0x5], $0x80, s30, s19, $0xb8;
	[tilespmem:$0x1F7C0] =	vst v63  }
0x9c: {  	_ =	swait.ge [sflag:s16], $0x1900  }
0x9d: {  	[sflag:s16] =	ssyncset.done $0x0  }
0x9e: {  	[sflag:s16] =	ssyncadd.s32 $0xFFFFE700  }
0x9f: {  	[spmem:s4] =	stream.indirect.scatter.add.f32 [tilespmem:s21], [sflag:$0x5], $0x10, s30, s19, $0xb8;
	[tilespmem:$0x1F7C0] =	vst v63  }
0xa0: {  	_ =	swait.ge [sflag:s16], $0x320  }
0xa1: {  	[sflag:s16] =	ssyncset.done $0x0  }
0xa2: {  	[sflag:s16] =	ssyncadd.s32 $0xFFFFFCE0  }
0xa3: {  	_ =	swait.ge [sflag:s26], $0x1900  }
0xa4: {  	[sflag:s26] =	ssyncset.done $0x0  }
0xa5: {  	[sflag:s26] =	ssyncadd.s32 $0xFFFFE700  }
0xa6: {  	_ =	swait.ge [sflag:s28], $0x320  }
0xa7: {  	[sflag:s28] =	ssyncset.done $0x0  }
0xa8: {  	[sflag:s28] =	ssyncadd.s32 $0xFFFFFCE0  }
0xa9: {  	[spmem:s3] =	stream.indirect.scatter.add.f32 [tilespmem:s22], [sflag:$0x5], $0x80, s31, s19, $0xb8;
	[tilespmem:$0x1F7C0] =	vst v63  }
0xaa: {  	_ =	swait.ge [sflag:s16], $0x1900  }
0xab: {  	[sflag:s16] =	ssyncset.done $0x0  }
0xac: {  	[sflag:s16] =	ssyncadd.s32 $0xFFFFE700  }
0xad: {  	[spmem:s4] =	stream.indirect.scatter.add.f32 [tilespmem:s23], [sflag:$0x5], $0x10, s31, s19, $0xb8;
	[tilespmem:$0x1F7C0] =	vst v63  }
0xae: {  	_ =	swait.ge [sflag:s16], $0x320  }
0xaf: {  	[sflag:s16] =	ssyncset.done $0x0  }
0xb0: {  	[sflag:s16] =	ssyncadd.s32 $0xFFFFFCE0  }
0xb1: {  	[bflag:$0x0] =	sbarrier.arrive $0xFFFF  }
0xb2: {  	[hbm:s12], [sflag:s9] =	dma.local [spmem:s15], $0x2800  }
0xb3: {  	s1 =	sadd.s32 $0x1, s1;
	_ =	swait.ge [sflag:s16], $0x2800  }
0xb4: {  	p0 =	sne.s32 s1, s14;
	[sflag:s16] =	ssyncset.done $0x0  }
.Ltmp1:
0xb5: {  	[sflag:s16] =	ssyncadd.s32 $0xFFFFD800;
	(pc) =	sbr.rel @p0 .LBB2_1-.Ltmp1, $4  }
0xb6: {  	[hbm:s13], [sflag:s9] =	dma.local [spmem:s17], $0x500  }
0xb7: {  	_ =	swait.ge [sflag:s16], $0x500  }
0xb8: {  	[sflag:s16] =	ssyncset.done $0x0  }
0xb9: {  	[sflag:s16] =	ssyncadd.s32 $0xFFFFFB00  }
0xba: {  	_ =	sfence.sel $0x180000  }
0xbb: {  	[bflag:$0x0] =	sbarrier.arrive $0xFFFF  }
0xbc: {  	_ =	strace $0x9000004A  }
0xbd: {  	s0 =	stileid.u32;
	[bflag:$0x2] =	sbarrier.arrive $0xFFFF  }
0xbe: {  	p0 =	sne.s32 s0, $0x0;
	s0 =	rddreg [dreg:$0x4]  }
0xbf: {  	s0 =	sadd.s32 @!p0 $0x100000, s0  }
0xc0: {  	[sflag:s0] =	ssyncadd.tile.s32 @!p0 $0x1;
	_ =	shalt  }
.Lfunc_end2:
_tile_overlayer_lowered:
.L_overlay_start_2:
0xc1: {  	(tag) =	ssettag $0x2  }
0xc2: {  	s0 =	rddreg [dreg:$0x0];
	s2 =	stileid.u32  }
0xc3: {  	s1 =	rddreg [dreg:$0x1];
	p0 =	sne.s32 s2, $0x0  }
0xc4: {  	s3 =	rddreg [dreg:$0x2];
	[bflag:$0x3] =	sbarrier.arrive $0xFFFF;
	s2 =	simm.s32 @!p0 $0x1C05  }
0xc5: {  	[timem:s3], [sflag:s2] =	dma.local @!p0 [hbm:s0], s1  }
0xc6: {  	s0 =	simm.s32 @!p0 $0x5  }
0xc7: {  	_ =	swait.ge @!p0 [sflag:s0], s1  }
0xc8: {  	s1 =	ssub.s32 @!p0 $0x0, s1;
	[sflag:s0] =	ssyncset.done @!p0 $0x0  }
0xc9: {  	[sflag:s0] =	ssyncadd.s32 @!p0 s1  }
0xca: {  	[bflag:$0x3] =	sbarrier.arrive $0xFFFF  }
0xcb: {  	_ =	shalt  }

// kernel: kernel.8.cloned.1.call-start
scs
__scs_entry_jumppad:
0x0: {  	(pc) =	sbr.rel $0x88, $3  }
0x1: {  	(tag) =	ssettag $0x0;
	lr =	simm.s32 $0x1  }
0x2: {  	[smem:$0x3F8D] =	sst lr;
	_ =	strace $0xD0000000  }
0x3: {  	_ = 	snop  }
0x4: {  	_ = 	snop  }
0x5: {  	_ = 	snop  }
0x6: {  	_ = 	snop  }
0x7: {  	_ = 	snop  }
__scs_overlays_trampoline_lowered:
0x8: {  	[smem:$0x3F9C] =	sst s0  }
0x9: {  	[smem:$0x3F9D] =	sst s1  }
0xa: {  	[smem:$0x3F9E] =	sst s2  }
0xb: {  	[smem:$0x3F9F] =	sst s3  }
0xc: {  	[smem:$0x3FA0] =	sst s4  }
0xd: {  	[smem:$0x3FA1] =	sst s5  }
0xe: {  	[smem:$0x3FA2] =	sst s6  }
0xf: {  	[smem:$0x3FA3] =	sst s7  }
0x10: {  	[smem:$0x3FA4] =	sst s8  }
0x11: {  	[smem:$0x3FA5] =	sst s9;
	s0 =	simm.s32 @!p0 $0x0  }
0x12: {  	s1 =	sld [smem:$0x3F8B];
	s0 =	simm.s32 @p0 $0x1  }
0x13: {  	[smem:$0x3FA6] =	sst s0;
	s0 =	simm.s32 @!p1 $0x0  }
0x14: {  	s2 =	sld [smem:$0x3F8A];
	s0 =	simm.s32 @p1 $0x1  }
0x15: {  	[smem:$0x3FA7] =	sst s0;
	s0 =	simm.s32 @!p2 $0x0  }
0x16: {  	s3 =	sld [smem:$0x3FDB];
	s0 =	simm.s32 @p2 $0x1  }
0x17: {  	s4 =	simm.s32 $0x1BF5;
	[smem:$0x3FA9] =	sst s0  }
0x18: {  	s0 =	sld [smem:$0x3F8C];
	_ =	swait.ge [sflag:s4], $0x0  }
0x19: {  	s7 =	sld [smem:$0x3F8D]  }
0x1a: {  	s8 =	sadd.s32 $0xFFFFE003, lr  }
0x1b: {  	s9 =	sadd.s32 $0xFFFFFEF7, lr;
	s5 =	simm.s32 $0xFFFFFFFF;
	p2 =	slt.u32 s8, $0xFFFFF086  }
0x1c: {  	p1 =	slt.u32 s9, $0xF7A;
	s5 =	simm.s32 @!p2 $0x0  }
0x1d: {  	s5 =	simm.s32 @p1 $0x1;
	p0 =	seq.s32 s7, s2  }
0x1e: {  	s7 =	smul.u32 @!p0 $0xF7A, s2;
	p2 =	seq.s32 @!p0 s5, $0x0  }
0x1f: {  	s9 =	smul.u32 $0xF7A, s1;
	s8 =	simm.s32 @!p0 $0x1BF5;
	p2 =	por !p2, p0  }
0x20: {  	[sflag:s8] =	ssyncset.s32 @!p0 $0xFFFFF086;
	s6 =	sadd.s32 @!p0 s3, s7;
	s7 =	simm.s32 @!p0 $0x108  }
0x21: {  	s3 =	sadd.s32 s3, s9;
	s6 =	sadd.s32 @!p0 $0x88, s6;
	s7 =	simm.s32 @p2 $0x1082  }
0x22: {  	[simem:s7], [sflag:s8] =	dma.local @!p0 [hbm:s6], $0xF7A  }
0x23: {  	s9 =	sor.u32 $0xD0000000, s2;
	s6 =	simm.s32 $0x108;
	_ =	swait.ge @!p0 [sflag:s8], $0x0  }
0x24: {  	s3 =	sadd.s32 $0x88, s3;
	s6 =	simm.s32 @!p1 $0x1082;
	[sflag:s4] =	ssyncset.s32 $0xFFFFF086  }
0x25: {  	[simem:s6], [sflag:s4] =	dma.local [hbm:s3], $0xF7A  }
0x26: {  	[smem:$0x3F8D] =	sst s1;
	(tag) =	ssettag s2;
	_ =	strace s9  }
0x27: {  	s1 =	sld [smem:$0x3F9D]  }
0x28: {  	s2 =	sld [smem:$0x3F9E]  }
0x29: {  	s4 =	sld [smem:$0x3FA0]  }
0x2a: {  	p0 =	seq.s32 s5, $0x0;
	s5 =	sld [smem:$0x3FA1]  }
0x2b: {  	s6 =	sld [smem:$0x3FA2]  }
0x2c: {  	s7 =	sld [smem:$0x3FA3]  }
0x2d: {  	s3 =	simm.s32 $0x108;
	s8 =	sld [smem:$0x3FA4]  }
0x2e: {  	s3 =	simm.s32 @!p0 $0x1082;
	s9 =	sld [smem:$0x3FA5]  }
0x2f: {  	lr =	sadd.s32 s0, s3;
	s0 =	sld [smem:$0x3F9C]  }
0x30: {  	s3 =	sld [smem:$0x3F9F]  }
0x31: {  	[smem:$0x3FA8] =	sst s10  }
0x32: {  	s10 =	sld [smem:$0x3FA6];
	_ =	sdelay $0x3  }
0x33: {  	p0 =	seq.s32 s10, $0x1;
	s10 =	sld [smem:$0x3FA8];
	_ =	sdelay $0x3  }
0x34: {  	[smem:$0x3FA8] =	sst s10  }
0x35: {  	s10 =	sld [smem:$0x3FA7];
	_ =	sdelay $0x3  }
0x36: {  	p1 =	seq.s32 s10, $0x1;
	s10 =	sld [smem:$0x3FA8];
	_ =	sdelay $0x3  }
0x37: {  	[smem:$0x3FA8] =	sst s10  }
0x38: {  	s10 =	sld [smem:$0x3FA9]  }
0x39: {  	_ = 	snop;
	(pc) =	sbr.ind lr, $3  }
0x3a: {  	_ = 	snop  }
0x3b: {  	_ = 	snop  }
0x3c: {  	p2 =	seq.s32 s10, $0x1;
	s10 =	sld [smem:$0x3FA8]  }
0x3d: {  	_ =	shalt  }
0x3e: {  	_ =	shalt  }
0x3f: {  	_ =	shalt  }
0x40: {  	_ =	shalt  }
0x41: {  	_ =	shalt  }
0x42: {  	_ =	shalt  }
0x43: {  	_ =	shalt  }
0x44: {  	_ =	shalt  }
0x45: {  	_ =	shalt  }
0x46: {  	_ =	shalt  }
0x47: {  	_ =	shalt  }
0x48: {  	_ =	shalt  }
0x49: {  	_ =	shalt  }
0x4a: {  	_ =	shalt  }
0x4b: {  	_ =	shalt  }
0x4c: {  	_ =	shalt  }
0x4d: {  	_ =	shalt  }
0x4e: {  	_ =	shalt  }
0x4f: {  	_ =	shalt  }
0x50: {  	_ =	shalt  }
0x51: {  	_ =	shalt  }
0x52: {  	_ =	shalt  }
0x53: {  	_ =	shalt  }
0x54: {  	_ =	shalt  }
0x55: {  	_ =	shalt  }
0x56: {  	_ =	shalt  }
0x57: {  	_ =	shalt  }
0x58: {  	_ =	shalt  }
0x59: {  	_ =	shalt  }
0x5a: {  	_ =	shalt  }
0x5b: {  	_ =	shalt  }
0x5c: {  	_ =	shalt  }
0x5d: {  	_ =	shalt  }
0x5e: {  	_ =	shalt  }
0x5f: {  	_ =	shalt  }
0x60: {  	_ =	shalt  }
0x61: {  	_ =	shalt  }
0x62: {  	_ =	shalt  }
0x63: {  	_ =	shalt  }
0x64: {  	_ =	shalt  }
0x65: {  	_ =	shalt  }
0x66: {  	_ =	shalt  }
0x67: {  	_ =	shalt  }
0x68: {  	_ =	shalt  }
0x69: {  	_ =	shalt  }
0x6a: {  	_ =	shalt  }
0x6b: {  	_ =	shalt  }
0x6c: {  	_ =	shalt  }
0x6d: {  	_ =	shalt  }
0x6e: {  	_ =	shalt  }
0x6f: {  	_ =	shalt  }
0x70: {  	_ =	shalt  }
0x71: {  	_ =	shalt  }
0x72: {  	_ =	shalt  }
0x73: {  	_ =	shalt  }
0x74: {  	_ =	shalt  }
0x75: {  	_ =	shalt  }
0x76: {  	_ =	shalt  }
0x77: {  	_ =	shalt  }
0x78: {  	_ =	shalt  }
0x79: {  	_ =	shalt  }
0x7a: {  	_ =	shalt  }
0x7b: {  	_ =	shalt  }
0x7c: {  	_ =	shalt  }
0x7d: {  	_ =	shalt  }
0x7e: {  	_ =	shalt  }
0x7f: {  	_ =	shalt  }
0x80: {  	_ =	shalt  }
0x81: {  	_ =	shalt  }
0x82: {  	_ =	shalt  }
0x83: {  	_ =	shalt  }
0x84: {  	_ =	shalt  }
0x85: {  	_ =	shalt  }
0x86: {  	_ =	shalt  }
0x87: {  	_ =	shalt  }
.Lfunc_end0:
.L_simem_size_0:
called_computation_lowered:
.L_overlay_start_0:
0x88: {  	s2 =	sld [smem:$0x3FD9]  }
0x89: {  	s3 =	sld [smem:$0x3FFE];
	_ =	sdelay $0x1  }
0x8a: {  	s1 =	srdreg.scid  }
0x8b: {  	s0 =	sand.u32 $0x1, s1  }
0x8c: {  	s17 =	sshll.u32 s0, $0xA;
	s2 =	sadd.s32 s3, s2  }
0x8d: {  	s2 =	sadd.s32 s2, s17  }
0x8e: {  	[smem:$0x3FB4] =	sst s2  }
0x8f: {  	_ = 	snop  }
0x90: {  	s2 =	sld [smem:$0x3FD0];
	(tm) =	ssettm $0x1  }
0x91: {  	s18 =	sld [smem:$0x3FFB];
	_ =	sdelay $0x3  }
0x92: {  	_ =	strace s18  }
0x93: {  	s3 =	sld [smem:$0x3FFC];
	_ =	sdelay $0x3  }
0x94: {  	_ =	strace s3  }
0x95: {  	s3 =	sld [smem:$0x3FFD];
	_ =	sdelay $0x3  }
0x96: {  	_ =	strace s3  }
0x97: {  	_ =	strace $0x8FFFFFFF  }
0x98: {  	s19 =	sld [smem:$0x3FDB];
	_ =	sdelay $0x1  }
0x99: {  	s4 =	simm.s32 $_scs_section_size  }
0x9a: {  	s5 =	simm.s32 $_size__tile_overlayer_lowered;
	s6 =	simm.s32 $_tile_overlayer_lowered  }
0x9b: {  	s22 =	simm.s32 $0x1BFF;
	s21 =	sshll.u32 s6, $0x1;
	s3 =	sadd.s32 s4, s19  }
0x9c: {  	s7 =	simm.s32 $0x0;
	s20 =	sshll.u32 s5, $0x1;
	s5 =	sadd.s32 s21, s3  }
0x9d: {  	[timem:s7], [sflag:s22] =	dma.local [hbm:s5], s20  }
0x9e: {  	_ =	swait.ge [sflag:s22], s20  }
0x9f: {  	s4 =	ssub.s32 $0x0, s20;
	[sflag:s22] =	ssyncset.done $0x0  }
0xa0: {  	[sflag:s22] =	ssyncadd.s32 s4;
	_ =	sdelay $0x1  }
0xa1: {  	s23 =	simm.s32 $0x1B8B  }
0xa2: {  	_ =	swait.ge [sflag:s23], $0x1  }
0xa3: {  	[sflag:s23] =	ssyncset.done $0x0  }
0xa4: {  	s25 =	simm.s32 $0x1B8E;
	s24 =	sld [smem:$0x3FFE];
	[sflag:s23] =	ssyncadd.s32 $0xFFFFFFFF  }
0xa5: {  	s26 =	simm.s32 $execute0_lowered;
	[smem:$0x3FD2] =	sst s25  }
0xa6: {  	s5 =	sshll.u32 s26, $0x1;
	_ =	strace $0x80000046;
	[dreg:$0x1] =	wrdreg $0xFFFFFFFF  }
0xa7: {  	s28 =	simm.s32 $_size_execute0_lowered;
	s3 =	sadd.s32 s3, s5;
	[dreg:$0x0] =	wrdreg $0x0  }
0xa8: {  	s5 =	sshll.u32 s28, $0x1;
	[dreg:$0x2] =	wrdreg s3  }
0xa9: {  	[dreg:$0x3] =	wrdreg s5  }
0xaa: {  	[dreg:$0x4] =	wrdreg $0xC0  }
0xab: {  	_ =	task [dreg:s7], $0x5FFFF  }
0xac: {  	[dreg:$0x1] =	wrdreg $0xFFFFFFFF  }
0xad: {  	[dreg:$0x0] =	wrdreg $0x60  }
0xae: {  	[dreg:$0x2] =	wrdreg s24  }
0xaf: {  	[dreg:$0x3] =	wrdreg s2  }
0xb0: {  	[dreg:$0x4] =	wrdreg $0x2EE00  }
0xb1: {  	[dreg:$0x5] =	wrdreg $0x9  }
0xb2: {  	_ =	task.clear_ibuf [dreg:s7], $0x6FFFF;
	_ =	strace $0x90000046  }
0xb3: {  	s29 =	simm.s32 $0x9;
	_ =	strace $0x80000048  }
0xb4: {  	_ =	swait.ge [sflag:s29], $0x1  }
0xb5: {  	[sflag:s29] =	ssyncadd.s32 $0xFFFFFFFF  }
0xb6: {  	_ =	strace $0x90000048  }
0xb7: {  	_ =	sfence  }
0xb8: {  	s30 =	sld [smem:$0x0];
	_ =	sdelay $0x2  }
0xb9: {  	s31 =	sshll.u32 s1, $0xD;
	s1 =	sshrl.u32 s1, $0x2  }
0xba: {  	s3 =	sand.u32 $0x4000, s31;
	s1 =	sadd.s32 s1, s30  }
0xbb: {  	s0 =	sor.u32 s3, s0;
	s1 =	sshll.u32 s1, $0x11  }
0xbc: {  	s0 =	sor.u32 s1, s0  }
0xbd: {  	s0 =	sadd.s32 $0x8F2B, s0  }
0xbe: {  	[sflag:s0] =	ssyncadd.remote.s32 $0x1  }
0xbf: {  	_ =	sfence.sel $0xFFFF  }
0xc0: {  	[dreg:$0x0] =	wrdreg $0xFFFFFFFF;
	(pc) =	sbr.abs _section_cstart, $3  }
0xc1: {  	[dreg:$0x1] =	wrdreg $0xFFFFFFFF  }
0xc2: {  	_ =	task.clear_ibuf [dreg:s7], $0x2FFFF;
	_ =	strace $0x9FFFFFFF  }
0xc3: {  	(tm) =	ssettm $0x7FFFFFFF  }
tec
execute0_lowered:
.L_overlay_start_1:
0x0: {  	(tag) =	ssettag $0x1  }
0x1: {  	s6 =	rddreg [dreg:$0x0]  }
0x2: {  	s2 =	rddreg [dreg:$0x1]  }
0x3: {  	s0 =	srdreg.scid;
	s3 =	rddreg [dreg:$0x2]  }
0x4: {  	s1 =	stileid.u32;
	s4 =	simm.s32 $0x0;
	s12 =	simm.s32 $0x2BC0  }
0x5: {  	s13 =	simm.s32 $0x32;
	s5 =	sand.u32 $0x1, s0;
	s0 =	rddreg [dreg:$0x3]  }
0x6: {  	s14 =	simm.s32 $0x0;
	s8 =	smul.u32 $0x2800, s1;
	[smem:$0x7FF] =	sst s4  }
0x7: {  	s31 =	sshll.u32 s1, $0x6;
	s7 =	sshll.u32 s5, $0x4;
	s9 =	smul.u32 $0x28000, s5  }
0x8: {  	_ =	strace $0x80000047;
	s10 =	ssub.s32 $0x2, s5;
	s7 =	sor.u32 s1, s7  }
0x9: {  	s5 =	sadd.s32 $0xEC00, s6;
	s7 =	smul.u32 $0x578, s7;
	s9 =	sadd.s32 s8, s9  }
0xa: {  	s30 =	sshrl.u32 s10, $0x1;
	s11 =	sadd.s32 s8, s3;
	s9 =	sshrl.u32 s9, $0x3  }
0xb: {  	s10 =	ssub.s32 s10, s30;
	s7 =	sadd.s32 s7, s6;
	s9 =	sadd.s32 s9, s6  }
0xc: {  	s6 =	sor.u32 $0x1C01, s31;
	s7 =	sadd.s32 $0x3C00, s7;
	s8 =	sadd.s32 $0xF200, s9  }
0xd: {  	s9 =	smax.u32 s10, $0x1;
	s10 =	sshrl.u32 s11, $0x3;
	s11 =	simm.s32 $0x1  }
.LBB2_1:
0xe: {  	[spmem:s10], [sflag:s6] =	dma.local [hbm:s5], $0x500  }
0xf: {  	_ =	swait.ge [sflag:s11], $0x500  }
0x10: {  	[sflag:s11] =	ssyncset.done $0x0  }
0x11: {  	[sflag:s11] =	ssyncadd.s32 $0xFFFFFB00  }
0x12: {  	[tilespmem:s12], [sflag:$0x1] =	stream.linear.gather [hbm4b:s2+s4], $0x320, $0x38;
	[tilespmem:$0x56E0] =	vst v63  }
0x13: {  	_ =	swait.ge [sflag:s11], $0x320  }
0x14: {  	[sflag:s11] =	ssyncset.done $0x0  }
0x15: {  	[sflag:s11] =	ssyncadd.s32 $0xFFFFFCE0  }
0x16: {  	[tilespmem:s4], [sflag:$0x1] =	stream.linear.gather [hbm4b:s7+s4], $0x2BC0, $0x38;
	[tilespmem:$0x56E0] =	vst v63  }
0x17: {  	_ =	swait.ge [sflag:s11], $0x2BC0  }
0x18: {  	[sflag:s11] =	ssyncset.done $0x0  }
0x19: {  	[sflag:s11] =	ssyncadd.s32 $0xFFFFD440  }
0x1a: {  	s15 =	simm.s32 $0x0;
	[bflag:$0x0] =	sbarrier.arrive $0xFFFF  }
0x1b: {  	[spmem:s3] =	stream.indirect.scatter.add.f32 [tilespmem:s12], [sflag:$0x1], $0x10, s15, s13, $0xb8;
	[tilespmem:$0x56E0] =	vst v63  }
0x1c: {  	_ =	swait.ge [sflag:s11], $0x320  }
0x1d: {  	s15 =	simm.s32 $0xE0;
	[sflag:s11] =	ssyncset.done $0x0  }
.LBB2_2:
0x1e: {  	s16 =	sshra.s32 s15, $0x2;
	[sflag:s11] =	ssyncadd.s32 $0xFFFFFCE0;
	p0 =	sne.s32 s15, $0xAE20  }
0x1f: {  	[spmem:s3] =	stream.indirect.scatter.add.f32 [tilespmem:s12], [sflag:$0x1], $0x10, s16, s13, $0xb8;
	[tilespmem:$0x56E0] =	vst v63  }
.Ltmp0:
0x20: {  	_ = 	snop;
	(pc) =	sbr.rel @p0 .LBB2_2-.Ltmp0, $4  }
0x21: {  	_ = 	snop  }
0x22: {  	s15 =	sadd.s32 $0xE0, s15  }
0x23: {  	_ =	swait.ge [sflag:s11], $0x320  }
0x24: {  	[sflag:s11] =	ssyncset.done $0x0  }
0x25: {  	s14 =	sadd.s32 $0x1, s14  }
0x26: {  	[sflag:s11] =	ssyncadd.s32 $0xFFFFFCE0;
	p0 =	sne.s32 s14, s9  }
.Ltmp1:
0x27: {  	[bflag:$0x0] =	sbarrier.arrive $0xFFFF;
	(pc) =	sbr.rel @p0 .LBB2_1-.Ltmp1, $4  }
0x28: {  	[hbm:s8], [sflag:s6] =	dma.local [spmem:s10], $0x500  }
0x29: {  	_ =	swait.ge [sflag:s11], $0x500  }
0x2a: {  	[sflag:s11] =	ssyncset.done $0x0  }
0x2b: {  	[sflag:s11] =	ssyncadd.s32 $0xFFFFFB00  }
0x2c: {  	_ =	sfence.sel $0x180000  }
0x2d: {  	[bflag:$0x0] =	sbarrier.arrive $0xFFFF  }
0x2e: {  	p0 =	sne.s32 s1, $0x0;
	_ =	strace $0x90000047  }
0x2f: {  	s0 =	sadd.s32 @!p0 $0x100000, s0;
	[bflag:$0x2] =	sbarrier.arrive $0xFFFF  }
0x30: {  	[sflag:s0] =	ssyncadd.tile.s32 @!p0 $0x1;
	_ =	shalt  }
.Lfunc_end2:
_tile_overlayer_lowered:
.L_overlay_start_2:
0x31: {  	(tag) =	ssettag $0x2  }
0x32: {  	s0 =	rddreg [dreg:$0x0];
	s2 =	stileid.u32  }
0x33: {  	s1 =	rddreg [dreg:$0x1];
	p0 =	sne.s32 s2, $0x0  }
0x34: {  	s3 =	rddreg [dreg:$0x2];
	[bflag:$0x3] =	sbarrier.arrive $0xFFFF;
	s2 =	simm.s32 @!p0 $0x1C01  }
0x35: {  	[timem:s3], [sflag:s2] =	dma.local @!p0 [hbm:s0], s1  }
0x36: {  	s0 =	simm.s32 @!p0 $0x1  }
0x37: {  	_ =	swait.ge @!p0 [sflag:s0], s1  }
0x38: {  	s1 =	ssub.s32 @!p0 $0x0, s1;
	[sflag:s0] =	ssyncset.done @!p0 $0x0  }
0x39: {  	[sflag:s0] =	ssyncadd.s32 @!p0 s1  }
0x3a: {  	[bflag:$0x3] =	sbarrier.arrive $0xFFFF  }
0x3b: {  	_ =	shalt  }

</sc_bundles>
